<compile_context>
chip_gen: v7x
topology: tpu7x:2x2x1
jax: 0.10.2.dev20260603
libtpu: 0.0.44.dev20260713+nightly
codegen_flags: <defaults>
</compile_context>

<pallas_src>
import functools

import jax
import jax.numpy as jnp
from jax import lax
from jax.experimental import pallas as pl
from jax.experimental.pallas import tpu as pltpu
from jax.experimental.pallas import tpu_sc as plsc

N = 10000
NP = 10240
E = 320000
D = 128

NC = 2
NS = 16
NW = NC * NS

E_TILE = E // NW
CHUNK = 128
NCHUNK = 79
E_TILE_P = NCHUNK * CHUNK

ROWS_SUB = NP // NS

_mesh = plsc.VectorSubcoreMesh(core_axis_name="c", subcore_axis_name="s")



@functools.partial(
    pl.kernel,
    out_type=jax.ShapeDtypeStruct((NW, NP), jnp.float32),
    mesh=_mesh,
    compiler_params=pltpu.CompilerParams(needs_layout_passes=False),
    scratch_types=[
        pltpu.VMEM((NCHUNK, CHUNK), jnp.int32),
        pltpu.VMEM((NP,), jnp.float32),
        pltpu.SemaphoreType.DMA,
        pltpu.SemaphoreType.DMA,
    ],
)
def _deg_sc(row_hbm, zeros_hbm, out_hbm, idx_all, hist_v, isem, zsem):
    c = lax.axis_index("c")
    s = lax.axis_index("s")
    wid = s * NC + c

    ild = pltpu.async_copy(row_hbm.at[wid], idx_all, isem)
    zld = pltpu.async_copy(zeros_hbm, hist_v, zsem)
    ild.wait()
    zld.wait()

    ones16 = jnp.ones((16,), jnp.float32)

    def cbody(j, carry):
        for k in range(CHUNK // 16):
            idx16 = idx_all[j, pl.ds(k * 16, 16)]
            plsc.addupdate_scatter(hist_v, [idx16], ones16)
        return carry

    lax.fori_loop(0, NCHUNK, cbody, 0)

    pltpu.sync_copy(hist_v, out_hbm.at[wid])


N_QUAD = 19


@functools.partial(
    pl.kernel,
    out_type=jax.ShapeDtypeStruct((NC, NP, D), jnp.float32),
    mesh=_mesh,
    scratch_types=[
        pltpu.VMEM_SHARED((NP, D), jnp.float32),
        pltpu.VMEM((2, CHUNK), jnp.int32),
        pltpu.VMEM((2, CHUNK), jnp.int32),
        pltpu.VMEM((2, CHUNK), jnp.int32),
        pltpu.VMEM((2, CHUNK), jnp.int32),
        pltpu.VMEM((CHUNK, D), jnp.float32),
        pltpu.VMEM((CHUNK, D), jnp.float32),
        pltpu.SemaphoreType.DMA,
        pltpu.SemaphoreType.DMA,
        pltpu.SemaphoreType.DMA,
        pltpu.SemaphoreType.DMA,
        pltpu.SemaphoreType.DMA,
        pltpu.SemaphoreType.DMA,
        pltpu.SemaphoreType.DMA,
    ],
)
def _scatter_sc(hp_hbm, rc_hbm, zeros_hbm, out_hbm,
                acc_sh, rc0, rc1, rc2, rc3, msg0, msg1,
                gsem0, gsem1, isem0, isem1, isem2, isem3, lsem):
    c = lax.axis_index("c")
    s = lax.axis_index("s")
    wid = s * NC + c
    r0 = s * ROWS_SUB
    cbase = wid * NCHUNK

    rcs = [rc0, rc1, rc2, rc3]
    isems = [isem0, isem1, isem2, isem3]
    msgs = [msg0, msg1]
    gsems = [gsem0, gsem1]

    def idx_load(j, k):
        pltpu.async_copy(rc_hbm.at[cbase + j], rcs[k], isems[k])

    def idx_wait(j, k):
        pltpu.make_async_copy(rc_hbm.at[cbase + j], rcs[k], isems[k]).wait()

    def gather(k, m):
        pltpu.async_copy(hp_hbm.at[rcs[k].at[0]], msgs[m], gsems[m])

    def gather_wait(k, m):
        pltpu.make_async_copy(hp_hbm.at[rcs[k].at[0]], msgs[m], gsems[m]).wait()

    def step(cc, phase, prefetch=True):
        k, m = phase % 4, phase % 2
        if prefetch:
            idx_wait(cc + 1, (phase + 1) % 4)
            gather((phase + 1) % 4, 1 - m)
        gather_wait(k, m)
        pltpu.sync_copy(msgs[m], acc_sh.at[rcs[k].at[1]], add=True)
        if prefetch:
            idx_load(cc + 3, (phase + 3) % 4)

    zld = pltpu.async_copy(zeros_hbm.at[pl.ds(r0, ROWS_SUB)],
                           acc_sh.at[pl.ds(r0, ROWS_SUB)], lsem)
    idx_load(0, 0)
    idx_load(1, 1)
    idx_load(2, 2)
    idx_wait(0, 0)
    gather(0, 0)
    zld.wait()
    plsc.subcore_barrier()

    def quad_body(q, carry):
        base = 4 * q
        for sph in range(4):
            step(base + sph, sph)
        return carry

    lax.fori_loop(0, N_QUAD, quad_body, 0)

    idx_wait(NCHUNK - 2, 1)
    gather(1, 1)
    gather_wait(0, 0)
    pltpu.sync_copy(msg0, acc_sh.at[rc0.at[1]], add=True)
    idx_wait(NCHUNK - 1, 2)
    gather(2, 0)
    gather_wait(1, 1)
    pltpu.sync_copy(msg1, acc_sh.at[rc1.at[1]], add=True)
    gather_wait(2, 0)
    pltpu.sync_copy(msg0, acc_sh.at[rc2.at[1]], add=True)

    plsc.subcore_barrier()
    pltpu.sync_copy(acc_sh.at[pl.ds(r0, ROWS_SUB)], out_hbm.at[c, pl.ds(r0, ROWS_SUB)])



BN = 2048
GRID = NP // BN


def _dis_from_hist(hist_blk):
    deg = jnp.sum(hist_blk, axis=0) + 1.0
    return lax.rsqrt(deg)


def _pre_body(hist_ref, x_ref, w1_ref, b1_ref, out_ref):
    dis = _dis_from_hist(hist_ref[...])
    h = lax.dot_general(x_ref[...], w1_ref[...], (((1,), (1,)), ((), ())),
                        preferred_element_type=jnp.float32) + b1_ref[...]
    out_ref[...] = dis[:, None] * h


_pre_tc = pl.pallas_call(
    _pre_body,
    grid=(GRID,),
    in_specs=[
        pl.BlockSpec((NW, BN), lambda i: (0, i)),
        pl.BlockSpec((BN, D), lambda i: (i, 0)),
        pl.BlockSpec((D, D), lambda i: (0, 0)),
        pl.BlockSpec((1, D), lambda i: (0, 0)),
    ],
    out_specs=pl.BlockSpec((BN, D), lambda i: (i, 0)),
    out_shape=jax.ShapeDtypeStruct((NP, D), jnp.float32),
)


def _mid_body(hist_ref, p_ref, hp_ref, w2_ref, b2_ref, out_ref):
    dis = _dis_from_hist(hist_ref[...])[:, None]
    sacc = p_ref[0] + p_ref[1] + hp_ref[...]
    y = jnp.maximum(dis * sacc, 0.0)
    h2 = lax.dot_general(y, w2_ref[...], (((1,), (1,)), ((), ())),
                         preferred_element_type=jnp.float32) + b2_ref[...]
    out_ref[...] = dis * h2


_mid_tc = pl.pallas_call(
    _mid_body,
    grid=(GRID,),
    in_specs=[
        pl.BlockSpec((NW, BN), lambda i: (0, i)),
        pl.BlockSpec((NC, BN, D), lambda i: (0, i, 0)),
        pl.BlockSpec((BN, D), lambda i: (i, 0)),
        pl.BlockSpec((D, D), lambda i: (0, 0)),
        pl.BlockSpec((1, D), lambda i: (0, 0)),
    ],
    out_specs=pl.BlockSpec((BN, D), lambda i: (i, 0)),
    out_shape=jax.ShapeDtypeStruct((NP, D), jnp.float32),
)


def _post_body(hist_ref, p_ref, hp_ref, out_ref):
    dis = _dis_from_hist(hist_ref[...])[:, None]
    o = dis * (p_ref[0] + p_ref[1] + hp_ref[...])
    m = jnp.max(o, axis=1, keepdims=True)
    e = o - m
    out_ref[...] = e - jnp.log(jnp.sum(jnp.exp(e), axis=1, keepdims=True))


_post_tc = pl.pallas_call(
    _post_body,
    grid=(GRID,),
    in_specs=[
        pl.BlockSpec((NW, BN), lambda i: (0, i)),
        pl.BlockSpec((NC, BN, D), lambda i: (0, i, 0)),
        pl.BlockSpec((BN, D), lambda i: (i, 0)),
    ],
    out_specs=pl.BlockSpec((BN, D), lambda i: (i, 0)),
    out_shape=jax.ShapeDtypeStruct((NP, D), jnp.float32),
)



def _pad_edges(v):
    vt = v.reshape(NW, E_TILE)
    padv = N + (jnp.arange(E_TILE_P - E_TILE, dtype=jnp.int32) % (NP - N))
    padv = jnp.broadcast_to(padv, (NW, E_TILE_P - E_TILE))
    return jnp.concatenate([vt, padv], axis=1).reshape(NW, NCHUNK, CHUNK)


def kernel(x, edge_index, W1, b1, W2, b2):
    row = _pad_edges(edge_index[0])
    col = _pad_edges(edge_index[1])
    rc = jnp.stack([row, col], axis=2).reshape(NW * NCHUNK, 2, CHUNK)
    xp = jnp.pad(x, ((0, NP - N), (0, 0)))
    zeros = jnp.zeros((NP, D), jnp.float32)
    hist = _deg_sc(row, jnp.zeros((NP,), jnp.float32))
    h1p = _pre_tc(hist, xp, W1, b1.reshape(1, D))
    p1 = _scatter_sc(h1p, rc, zeros)
    h2p = _mid_tc(hist, p1, h1p, W2, b2.reshape(1, D))
    p2 = _scatter_sc(h2p, rc, zeros)
    return _post_tc(hist, p2, h2p)[:N]

# --- scband reference (transcript-rebuilt; emitter-appended) ---
"""Pipeline reference for scband-gcn-61306363183616 (READ-ONLY COPY).

The authoritative reference and input builder live on the scoring server;
editing this copy changes nothing except your own understanding.
"""

import jax, jax.numpy as jnp
import numpy as np

N = 10000
E = 320000
D_IN = 128
D_HID = 128
D_OUT = 128


def setup_inputs(seed: int = 0) -> dict:
    key = jax.random.key(seed)
    k1, k2, k3, k4, k5, k6 = jax.random.split(key, 6)
    x = jax.random.normal(k1, (N, D_IN), dtype=jnp.float32)
    edge_index = jax.random.randint(k2, (2, E), 0, N, dtype=jnp.int32)
    W1 = jax.random.normal(k3, (D_HID, D_IN), dtype=jnp.float32) * (1.0 / np.sqrt(D_IN))
    b1 = jax.random.normal(k4, (D_HID,), dtype=jnp.float32) * 0.01
    W2 = jax.random.normal(k5, (D_OUT, D_HID), dtype=jnp.float32) * (1.0 / np.sqrt(D_HID))
    b2 = jax.random.normal(k6, (D_OUT,), dtype=jnp.float32) * 0.01
    return {"x": x, "edge_index": edge_index, "W1": W1, "b1": b1, "W2": W2, "b2": b2}


def _gcn_conv(x, edge_index, W, b):
    n = x.shape[0]
    # add_self_loops
    loops = jnp.arange(n, dtype=edge_index.dtype)
    ei = jnp.concatenate([edge_index, jnp.stack([loops, loops], axis=0)], axis=1)
    # linear
    x = x @ W.T + b
    row, col = ei[0], ei[1]
    # degree over row indices (matches degree(row, ...) in reference)
    deg = jnp.zeros((n,), dtype=x.dtype).at[row].add(1.0)
    deg_inv_sqrt = deg ** (-0.5)
    norm = deg_inv_sqrt[row] * deg_inv_sqrt[col]
    # message: norm * x_j where x_j = x[source]; aggregate (add) at target
    msg = norm[:, None] * x[row]
    out = jnp.zeros((n, x.shape[1]), dtype=x.dtype).at[col].add(msg)
    return out


def reference(x, edge_index, W1, b1, W2, b2):
    h = _gcn_conv(x, edge_index, W1, b1)
    h = jax.nn.relu(h)
    h = _gcn_conv(h, edge_index, W2, b2)
    return jax.nn.log_softmax(h, axis=1)

if __name__ == "__main__":
    import jax
    _d = setup_inputs()
    print(jax.jit(kernel)(*tuple(_d.values())))

</pallas_src>

<mosaic_0001>
#map = affine_map<(d0, d1) -> (0, 0, 0)>
#map1 = affine_map<(d0, d1) -> (0)>
#map2 = affine_map<(d0, d1) -> (0, 0)>
module attributes {stable_mosaic.version = 14 : i64} {
  func.func @_deg_sc(%arg0: i32, %arg1: i32, %arg2: memref<32x79x128xi32, #tpu.memory_space<hbm>>, %arg3: memref<10240xf32, #tpu.memory_space<hbm>>, %arg4: memref<32x10240xf32, #tpu.memory_space<hbm>>, %arg5: memref<79x128xi32, #tpu.memory_space<vmem>>, %arg6: memref<10240xf32, #tpu.memory_space<vmem>>, %arg7: memref<!tpu.dma_semaphore, #tpu.memory_space<semaphore_mem>>, %arg8: memref<!tpu.dma_semaphore, #tpu.memory_space<semaphore_mem>>) attributes {dimension_semantics = [#tpu.dimension_semantics<core_parallel>, #tpu.dimension_semantics<subcore_parallel>], iteration_bounds = array<i64: 2, 16>, scalar_prefetch = 0 : i64, scratch_operands = 4 : i64, tpu.core_type = #tpu.core_type<sc_vector_subcore>, window_params = [{transform_indices = #map}, {transform_indices = #map1}, {transform_indices = #map2}]} {
    %mul3A = arith.constant 2 : i32
    %mul3A_0 = arith.muli %arg1, %mul3A : i32
    %add3A = arith.addi %mul3A_0, %arg0 : i32
    %dma_start3A = arith.constant 0 : i32
    %dma_start3A_1 = arith.constant 0 : i32
    %dma_start3A_2 = tpu.memref_slice %arg2[%add3A, %dma_start3A, %dma_start3A_1] : memref<32x79x128xi32, #tpu.memory_space<hbm>> -> memref<1x79x128xi32, #tpu.memory_space<hbm>>
    %dma_start3A_3 = tpu.memref_squeeze %dma_start3A_2 : memref<1x79x128xi32, #tpu.memory_space<hbm>> -> memref<79x128xi32, #tpu.memory_space<hbm>>
    %dma_start3A_4 = arith.constant 0 : i32
    %dma_start3A_5 = arith.constant 0 : i32
    %dma_start3A_6 = tpu.memref_slice %arg2[%add3A, %dma_start3A_4, %dma_start3A_5] : memref<32x79x128xi32, #tpu.memory_space<hbm>> -> memref<1x79x128xi32, #tpu.memory_space<hbm>>
    %dma_start3A_7 = tpu.memref_squeeze %dma_start3A_6 : memref<1x79x128xi32, #tpu.memory_space<hbm>> -> memref<79x128xi32, #tpu.memory_space<hbm>>
    tpu.enqueue_dma source(%dma_start3A_7 : memref<79x128xi32, #tpu.memory_space<hbm>>) target(%arg5 : memref<79x128xi32, #tpu.memory_space<vmem>>) target_semaphore(%arg7 : memref<!tpu.dma_semaphore, #tpu.memory_space<semaphore_mem>>)
    tpu.enqueue_dma source(%arg3 : memref<10240xf32, #tpu.memory_space<hbm>>) target(%arg6 : memref<10240xf32, #tpu.memory_space<vmem>>) target_semaphore(%arg8 : memref<!tpu.dma_semaphore, #tpu.memory_space<semaphore_mem>>)
    %dma_wait3A = arith.constant 0 : i32
    %dma_wait3A_8 = arith.constant 0 : i32
    %dma_wait3A_9 = tpu.memref_slice %arg2[%add3A, %dma_wait3A, %dma_wait3A_8] : memref<32x79x128xi32, #tpu.memory_space<hbm>> -> memref<1x79x128xi32, #tpu.memory_space<hbm>>
    %dma_wait3A_10 = tpu.memref_squeeze %dma_wait3A_9 : memref<1x79x128xi32, #tpu.memory_space<hbm>> -> memref<79x128xi32, #tpu.memory_space<hbm>>
    %dma_wait3A_11 = arith.constant 0 : i32
    %dma_wait3A_12 = arith.constant 0 : i32
    %dma_wait3A_13 = tpu.memref_slice %arg2[%add3A, %dma_wait3A_11, %dma_wait3A_12] : memref<32x79x128xi32, #tpu.memory_space<hbm>> -> memref<1x79x128xi32, #tpu.memory_space<hbm>>
    %dma_wait3A_14 = tpu.memref_squeeze %dma_wait3A_13 : memref<1x79x128xi32, #tpu.memory_space<hbm>> -> memref<79x128xi32, #tpu.memory_space<hbm>>
    tpu.wait_dma2 semaphore(%arg7 : memref<!tpu.dma_semaphore, #tpu.memory_space<semaphore_mem>>) src(%dma_wait3A_14 : memref<79x128xi32, #tpu.memory_space<hbm>>) dst(%arg5 : memref<79x128xi32, #tpu.memory_space<vmem>>)
    tpu.wait_dma2 semaphore(%arg8 : memref<!tpu.dma_semaphore, #tpu.memory_space<semaphore_mem>>) src(%arg3 : memref<10240xf32, #tpu.memory_space<hbm>>) dst(%arg6 : memref<10240xf32, #tpu.memory_space<vmem>>)
    %broadcast_in_dim3A = arith.constant 1.000000e+00 : f32
    %broadcast_in_dim3A_15 = vector.broadcast %broadcast_in_dim3A : f32 to vector<16xf32>
    %scan3A = arith.constant 0 : i32
    %scan3A_16 = arith.constant 0 : i32
    %scan3A_17 = arith.constant 79 : i32
    %scan3A_18 = arith.addi %scan3A_16, %scan3A_17 : i32
    %scan3A_19 = arith.constant 1 : i32
    scf.for %scan3A_21 = %scan3A_16 to %scan3A_18 step %scan3A_19  : i32 {
      %get3A = arith.index_cast %scan3A_21 : i32 to index
      %get3A_22 = arith.constant 0 : index
      %get3A_23 = tpu.vector_load %arg5[%get3A, %get3A_22] {strides = array<i32>} : memref<79x128xi32, #tpu.memory_space<vmem>>, vector<16xi32>,
      tpu.vector_store_idx %arg6[%get3A_23], %broadcast_in_dim3A_15 {add = true} : memref<10240xf32, #tpu.memory_space<vmem>>[vector<16xi32>], vector<16xf32>,
      %get3A_24 = arith.index_cast %scan3A_21 : i32 to index
      %get3A_25 = arith.constant 16 : index
      %get3A_26 = tpu.vector_load %arg5[%get3A_24, %get3A_25] {strides = array<i32>} : memref<79x128xi32, #tpu.memory_space<vmem>>, vector<16xi32>,
      tpu.vector_store_idx %arg6[%get3A_26], %broadcast_in_dim3A_15 {add = true} : memref<10240xf32, #tpu.memory_space<vmem>>[vector<16xi32>], vector<16xf32>,
      %get3A_27 = arith.index_cast %scan3A_21 : i32 to index
      %get3A_28 = arith.constant 32 : index
      %get3A_29 = tpu.vector_load %arg5[%get3A_27, %get3A_28] {strides = array<i32>} : memref<79x128xi32, #tpu.memory_space<vmem>>, vector<16xi32>,
      tpu.vector_store_idx %arg6[%get3A_29], %broadcast_in_dim3A_15 {add = true} : memref<10240xf32, #tpu.memory_space<vmem>>[vector<16xi32>], vector<16xf32>,
      %get3A_30 = arith.index_cast %scan3A_21 : i32 to index
      %get3A_31 = arith.constant 48 : index
      %get3A_32 = tpu.vector_load %arg5[%get3A_30, %get3A_31] {strides = array<i32>} : memref<79x128xi32, #tpu.memory_space<vmem>>, vector<16xi32>,
      tpu.vector_store_idx %arg6[%get3A_32], %broadcast_in_dim3A_15 {add = true} : memref<10240xf32, #tpu.memory_space<vmem>>[vector<16xi32>], vector<16xf32>,
      %get3A_33 = arith.index_cast %scan3A_21 : i32 to index
      %get3A_34 = arith.constant 64 : index
      %get3A_35 = tpu.vector_load %arg5[%get3A_33, %get3A_34] {strides = array<i32>} : memref<79x128xi32, #tpu.memory_space<vmem>>, vector<16xi32>,
      tpu.vector_store_idx %arg6[%get3A_35], %broadcast_in_dim3A_15 {add = true} : memref<10240xf32, #tpu.memory_space<vmem>>[vector<16xi32>], vector<16xf32>,
      %get3A_36 = arith.index_cast %scan3A_21 : i32 to index
      %get3A_37 = arith.constant 80 : index
      %get3A_38 = tpu.vector_load %arg5[%get3A_36, %get3A_37] {strides = array<i32>} : memref<79x128xi32, #tpu.memory_space<vmem>>, vector<16xi32>,
      tpu.vector_store_idx %arg6[%get3A_38], %broadcast_in_dim3A_15 {add = true} : memref<10240xf32, #tpu.memory_space<vmem>>[vector<16xi32>], vector<16xf32>,
      %get3A_39 = arith.index_cast %scan3A_21 : i32 to index
      %get3A_40 = arith.constant 96 : index
      %get3A_41 = tpu.vector_load %arg5[%get3A_39, %get3A_40] {strides = array<i32>} : memref<79x128xi32, #tpu.memory_space<vmem>>, vector<16xi32>,
      tpu.vector_store_idx %arg6[%get3A_41], %broadcast_in_dim3A_15 {add = true} : memref<10240xf32, #tpu.memory_space<vmem>>[vector<16xi32>], vector<16xf32>,
      %get3A_42 = arith.index_cast %scan3A_21 : i32 to index
      %get3A_43 = arith.constant 112 : index
      %get3A_44 = tpu.vector_load %arg5[%get3A_42, %get3A_43] {strides = array<i32>} : memref<79x128xi32, #tpu.memory_space<vmem>>, vector<16xi32>,
      tpu.vector_store_idx %arg6[%get3A_44], %broadcast_in_dim3A_15 {add = true} : memref<10240xf32, #tpu.memory_space<vmem>>[vector<16xi32>], vector<16xf32>,
    }
    %scan3A_20 = arith.constant 79 : i32
    "tpu.region"() ({
      %run_scoped3A = tpu.sem_alloc : memref<!tpu.dma_semaphore, #tpu.memory_space<semaphore_mem>>
      %dma_start3A_21 = arith.constant 0 : i32
      %dma_start3A_22 = tpu.memref_slice %arg4[%add3A, %dma_start3A_21] : memref<32x10240xf32, #tpu.memory_space<hbm>> -> memref<1x10240xf32, #tpu.memory_space<hbm>>
      %dma_start3A_23 = tpu.memref_squeeze %dma_start3A_22 : memref<1x10240xf32, #tpu.memory_space<hbm>> -> memref<10240xf32, #tpu.memory_space<hbm>>
      %dma_start3A_24 = arith.constant 0 : i32
      %dma_start3A_25 = tpu.memref_slice %arg4[%add3A, %dma_start3A_24] : memref<32x10240xf32, #tpu.memory_space<hbm>> -> memref<1x10240xf32, #tpu.memory_space<hbm>>
      %dma_start3A_26 = tpu.memref_squeeze %dma_start3A_25 : memref<1x10240xf32, #tpu.memory_space<hbm>> -> memref<10240xf32, #tpu.memory_space<hbm>>
      tpu.enqueue_dma source(%arg6 : memref<10240xf32, #tpu.memory_space<vmem>>) target(%dma_start3A_26 : memref<10240xf32, #tpu.memory_space<hbm>>) target_semaphore(%run_scoped3A : memref<!tpu.dma_semaphore, #tpu.memory_space<semaphore_mem>>)
      %dma_wait3A_27 = arith.constant 0 : i32
      %dma_wait3A_28 = tpu.memref_slice %arg4[%add3A, %dma_wait3A_27] : memref<32x10240xf32, #tpu.memory_space<hbm>> -> memref<1x10240xf32, #tpu.memory_space<hbm>>
      %dma_wait3A_29 = tpu.memref_squeeze %dma_wait3A_28 : memref<1x10240xf32, #tpu.memory_space<hbm>> -> memref<10240xf32, #tpu.memory_space<hbm>>
      %dma_wait3A_30 = arith.constant 0 : i32
      %dma_wait3A_31 = tpu.memref_slice %arg4[%add3A, %dma_wait3A_30] : memref<32x10240xf32, #tpu.memory_space<hbm>> -> memref<1x10240xf32, #tpu.memory_space<hbm>>
      %dma_wait3A_32 = tpu.memref_squeeze %dma_wait3A_31 : memref<1x10240xf32, #tpu.memory_space<hbm>> -> memref<10240xf32, #tpu.memory_space<hbm>>
      tpu.wait_dma2 semaphore(%run_scoped3A : memref<!tpu.dma_semaphore, #tpu.memory_space<semaphore_mem>>) src(%arg6 : memref<10240xf32, #tpu.memory_space<vmem>>) dst(%dma_wait3A_32 : memref<10240xf32, #tpu.memory_space<hbm>>)
      tpu.yield
    }) : () -> ()
    return
  }
}

#map = affine_map<(d0, d1) -> (0, 0)>
#map1 = affine_map<(d0, d1) -> (0, 0, 0)>
module attributes {stable_mosaic.version = 14 : i64} {
  func.func @_scatter_sc(%arg0: i32, %arg1: i32, %arg2: memref<10240x128xf32, #tpu.memory_space<hbm>>, %arg3: memref<2528x2x128xi32, #tpu.memory_space<hbm>>, %arg4: memref<10240x128xf32, #tpu.memory_space<hbm>>, %arg5: memref<2x10240x128xf32, #tpu.memory_space<hbm>>, %arg6: memref<10240x128xf32, #tpu.memory_space<vmem_shared>>, %arg7: memref<2x128xi32, #tpu.memory_space<vmem>>, %arg8: memref<2x128xi32, #tpu.memory_space<vmem>>, %arg9: memref<2x128xi32, #tpu.memory_space<vmem>>, %arg10: memref<2x128xi32, #tpu.memory_space<vmem>>, %arg11: memref<128x128xf32, #tpu.memory_space<vmem>>, %arg12: memref<128x128xf32, #tpu.memory_space<vmem>>, %arg13: memref<!tpu.dma_semaphore, #tpu.memory_space<semaphore_mem>>, %arg14: memref<!tpu.dma_semaphore, #tpu.memory_space<semaphore_mem>>, %arg15: memref<!tpu.dma_semaphore, #tpu.memory_space<semaphore_mem>>, %arg16: memref<!tpu.dma_semaphore, #tpu.memory_space<semaphore_mem>>, %arg17: memref<!tpu.dma_semaphore, #tpu.memory_space<semaphore_mem>>, %arg18: memref<!tpu.dma_semaphore, #tpu.memory_space<semaphore_mem>>, %arg19: memref<!tpu.dma_semaphore, #tpu.memory_space<semaphore_mem>>) attributes {dimension_semantics = [#tpu.dimension_semantics<core_parallel>, #tpu.dimension_semantics<subcore_parallel>], iteration_bounds = array<i64: 2, 16>, scalar_prefetch = 0 : i64, scratch_operands = 14 : i64, tpu.core_type = #tpu.core_type<sc_vector_subcore>, window_params = [{transform_indices = #map}, {transform_indices = #map1}, {transform_indices = #map}, {transform_indices = #map1}]} {
    %mul3A = arith.constant 2 : i32
    %mul3A_0 = arith.muli %arg1, %mul3A : i32
    %add3A = arith.addi %mul3A_0, %arg0 : i32
    %mul3A_1 = arith.constant 640 : i32
    %mul3A_2 = arith.muli %arg1, %mul3A_1 : i32
    %mul3A_3 = arith.constant 79 : i32
    %mul3A_4 = arith.muli %add3A, %mul3A_3 : i32
    %dma_start3A = arith.constant 0 : i32
    %dma_start3A_5 = tpu.memref_slice %arg6[%mul3A_2, %dma_start3A] : memref<10240x128xf32, #tpu.memory_space<vmem_shared>> -> memref<640x128xf32, #tpu.memory_space<vmem_shared>>
    %dma_start3A_6 = arith.constant 0 : i32
    %dma_start3A_7 = tpu.memref_slice %arg4[%mul3A_2, %dma_start3A_6] : memref<10240x128xf32, #tpu.memory_space<hbm>> -> memref<640x128xf32, #tpu.memory_space<hbm>>
    tpu.enqueue_dma source(%dma_start3A_7 : memref<640x128xf32, #tpu.memory_space<hbm>>) target(%dma_start3A_5 : memref<640x128xf32, #tpu.memory_space<vmem_shared>>) target_semaphore(%arg19 : memref<!tpu.dma_semaphore, #tpu.memory_space<semaphore_mem>>)
    %add3A_8 = arith.constant 0 : i32
    %add3A_9 = arith.addi %mul3A_4, %add3A_8 : i32
    %dma_start3A_10 = arith.constant 0 : i32
    %dma_start3A_11 = arith.constant 0 : i32
    %dma_start3A_12 = tpu.memref_slice %arg3[%add3A_9, %dma_start3A_10, %dma_start3A_11] : memref<2528x2x128xi32, #tpu.memory_space<hbm>> -> memref<1x2x128xi32, #tpu.memory_space<hbm>>
    %dma_start3A_13 = tpu.memref_squeeze %dma_start3A_12 : memref<1x2x128xi32, #tpu.memory_space<hbm>> -> memref<2x128xi32, #tpu.memory_space<hbm>>
    %dma_start3A_14 = arith.constant 0 : i32
    %dma_start3A_15 = arith.constant 0 : i32
    %dma_start3A_16 = tpu.memref_slice %arg3[%add3A_9, %dma_start3A_14, %dma_start3A_15] : memref<2528x2x128xi32, #tpu.memory_space<hbm>> -> memref<1x2x128xi32, #tpu.memory_space<hbm>>
    %dma_start3A_17 = tpu.memref_squeeze %dma_start3A_16 : memref<1x2x128xi32, #tpu.memory_space<hbm>> -> memref<2x128xi32, #tpu.memory_space<hbm>>
    tpu.enqueue_dma source(%dma_start3A_17 : memref<2x128xi32, #tpu.memory_space<hbm>>) target(%arg7 : memref<2x128xi32, #tpu.memory_space<vmem>>) target_semaphore(%arg15 : memref<!tpu.dma_semaphore, #tpu.memory_space<semaphore_mem>>)
    %add3A_18 = arith.constant 1 : i32
    %add3A_19 = arith.addi %mul3A_4, %add3A_18 : i32
    %dma_start3A_20 = arith.constant 0 : i32
    %dma_start3A_21 = arith.constant 0 : i32
    %dma_start3A_22 = tpu.memref_slice %arg3[%add3A_19, %dma_start3A_20, %dma_start3A_21] : memref<2528x2x128xi32, #tpu.memory_space<hbm>> -> memref<1x2x128xi32, #tpu.memory_space<hbm>>
    %dma_start3A_23 = tpu.memref_squeeze %dma_start3A_22 : memref<1x2x128xi32, #tpu.memory_space<hbm>> -> memref<2x128xi32, #tpu.memory_space<hbm>>
    %dma_start3A_24 = arith.constant 0 : i32
    %dma_start3A_25 = arith.constant 0 : i32
    %dma_start3A_26 = tpu.memref_slice %arg3[%add3A_19, %dma_start3A_24, %dma_start3A_25] : memref<2528x2x128xi32, #tpu.memory_space<hbm>> -> memref<1x2x128xi32, #tpu.memory_space<hbm>>
    %dma_start3A_27 = tpu.memref_squeeze %dma_start3A_26 : memref<1x2x128xi32, #tpu.memory_space<hbm>> -> memref<2x128xi32, #tpu.memory_space<hbm>>
    tpu.enqueue_dma source(%dma_start3A_27 : memref<2x128xi32, #tpu.memory_space<hbm>>) target(%arg8 : memref<2x128xi32, #tpu.memory_space<vmem>>) target_semaphore(%arg16 : memref<!tpu.dma_semaphore, #tpu.memory_space<semaphore_mem>>)
    %add3A_28 = arith.constant 2 : i32
    %add3A_29 = arith.addi %mul3A_4, %add3A_28 : i32
    %dma_start3A_30 = arith.constant 0 : i32
    %dma_start3A_31 = arith.constant 0 : i32
    %dma_start3A_32 = tpu.memref_slice %arg3[%add3A_29, %dma_start3A_30, %dma_start3A_31] : memref<2528x2x128xi32, #tpu.memory_space<hbm>> -> memref<1x2x128xi32, #tpu.memory_space<hbm>>
    %dma_start3A_33 = tpu.memref_squeeze %dma_start3A_32 : memref<1x2x128xi32, #tpu.memory_space<hbm>> -> memref<2x128xi32, #tpu.memory_space<hbm>>
    %dma_start3A_34 = arith.constant 0 : i32
    %dma_start3A_35 = arith.constant 0 : i32
    %dma_start3A_36 = tpu.memref_slice %arg3[%add3A_29, %dma_start3A_34, %dma_start3A_35] : memref<2528x2x128xi32, #tpu.memory_space<hbm>> -> memref<1x2x128xi32, #tpu.memory_space<hbm>>
    %dma_start3A_37 = tpu.memref_squeeze %dma_start3A_36 : memref<1x2x128xi32, #tpu.memory_space<hbm>> -> memref<2x128xi32, #tpu.memory_space<hbm>>
    tpu.enqueue_dma source(%dma_start3A_37 : memref<2x128xi32, #tpu.memory_space<hbm>>) target(%arg9 : memref<2x128xi32, #tpu.memory_space<vmem>>) target_semaphore(%arg17 : memref<!tpu.dma_semaphore, #tpu.memory_space<semaphore_mem>>)
    %add3A_38 = arith.constant 0 : i32
    %add3A_39 = arith.addi %mul3A_4, %add3A_38 : i32
    %dma_wait3A = arith.constant 0 : i32
    %dma_wait3A_40 = arith.constant 0 : i32
    %dma_wait3A_41 = tpu.memref_slice %arg3[%add3A_39, %dma_wait3A, %dma_wait3A_40] : memref<2528x2x128xi32, #tpu.memory_space<hbm>> -> memref<1x2x128xi32, #tpu.memory_space<hbm>>
    %dma_wait3A_42 = tpu.memref_squeeze %dma_wait3A_41 : memref<1x2x128xi32, #tpu.memory_space<hbm>> -> memref<2x128xi32, #tpu.memory_space<hbm>>
    %dma_wait3A_43 = arith.constant 0 : i32
    %dma_wait3A_44 = arith.constant 0 : i32
    %dma_wait3A_45 = tpu.memref_slice %arg3[%add3A_39, %dma_wait3A_43, %dma_wait3A_44] : memref<2528x2x128xi32, #tpu.memory_space<hbm>> -> memref<1x2x128xi32, #tpu.memory_space<hbm>>
    %dma_wait3A_46 = tpu.memref_squeeze %dma_wait3A_45 : memref<1x2x128xi32, #tpu.memory_space<hbm>> -> memref<2x128xi32, #tpu.memory_space<hbm>>
    tpu.wait_dma2 semaphore(%arg15 : memref<!tpu.dma_semaphore, #tpu.memory_space<semaphore_mem>>) src(%dma_wait3A_46 : memref<2x128xi32, #tpu.memory_space<hbm>>) dst(%arg7 : memref<2x128xi32, #tpu.memory_space<vmem>>)
    %dma_start3A_47 = arith.constant 0 : i32
    %dma_start3A_48 = arith.constant 0 : i32
    %dma_start3A_49 = tpu.memref_slice %arg7[%dma_start3A_47, %dma_start3A_48] : memref<2x128xi32, #tpu.memory_space<vmem>> -> memref<1x128xi32, #tpu.memory_space<vmem>>
    %dma_start3A_50 = tpu.memref_squeeze %dma_start3A_49 : memref<1x128xi32, #tpu.memory_space<vmem>> -> memref<128xi32, #tpu.memory_space<vmem>>
    %dma_start3A_51 = arith.constant 0 : i32
    %dma_start3A_52 = arith.constant 0 : i32
    %dma_start3A_53 = tpu.memref_slice %arg2[%dma_start3A_51, %dma_start3A_52] : memref<10240x128xf32, #tpu.memory_space<hbm>> -> memref<10240x128xf32, #tpu.memory_space<hbm>>
    tpu.enqueue_indirect_dma source(%dma_start3A_53 : memref<10240x128xf32, #tpu.memory_space<hbm>>) target(%arg11 : memref<128x128xf32, #tpu.memory_space<vmem>>) offsets(%dma_start3A_50 : memref<128xi32, #tpu.memory_space<vmem>>) semaphore(%arg13 : memref<!tpu.dma_semaphore, #tpu.memory_space<semaphore_mem>>)
    %dma_wait3A_54 = arith.constant 0 : i32
    %dma_wait3A_55 = tpu.memref_slice %arg6[%mul3A_2, %dma_wait3A_54] : memref<10240x128xf32, #tpu.memory_space<vmem_shared>> -> memref<640x128xf32, #tpu.memory_space<vmem_shared>>
    %dma_wait3A_56 = arith.constant 0 : i32
    %dma_wait3A_57 = tpu.memref_slice %arg4[%mul3A_2, %dma_wait3A_56] : memref<10240x128xf32, #tpu.memory_space<hbm>> -> memref<640x128xf32, #tpu.memory_space<hbm>>
    tpu.wait_dma2 semaphore(%arg19 : memref<!tpu.dma_semaphore, #tpu.memory_space<semaphore_mem>>) src(%dma_wait3A_57 : memref<640x128xf32, #tpu.memory_space<hbm>>) dst(%dma_wait3A_55 : memref<640x128xf32, #tpu.memory_space<vmem_shared>>)
    %barrier3A = arith.constant 0 : index
    tpu.barrier barrier_id(%barrier3A)
    %scan3A = arith.constant 0 : i32
    %scan3A_58 = arith.constant 0 : i32
    %scan3A_59 = arith.constant 19 : i32
    %scan3A_60 = arith.addi %scan3A_58, %scan3A_59 : i32
    %scan3A_61 = arith.constant 1 : i32
    scf.for %scan3A_121 = %scan3A_58 to %scan3A_60 step %scan3A_61  : i32 {
      %mul3A_122 = arith.constant 4 : i32
      %mul3A_123 = arith.muli %mul3A_122, %scan3A_121 : i32
      %add3A_124 = arith.constant 0 : i32
      %add3A_125 = arith.addi %mul3A_123, %add3A_124 : i32
      %add3A_126 = arith.constant 1 : i32
      %add3A_127 = arith.addi %add3A_125, %add3A_126 : i32
      %add3A_128 = arith.addi %mul3A_4, %add3A_127 : i32
      %dma_wait3A_129 = arith.constant 0 : i32
      %dma_wait3A_130 = arith.constant 0 : i32
      %dma_wait3A_131 = tpu.memref_slice %arg3[%add3A_128, %dma_wait3A_129, %dma_wait3A_130] : memref<2528x2x128xi32, #tpu.memory_space<hbm>> -> memref<1x2x128xi32, #tpu.memory_space<hbm>>
      %dma_wait3A_132 = tpu.memref_squeeze %dma_wait3A_131 : memref<1x2x128xi32, #tpu.memory_space<hbm>> -> memref<2x128xi32, #tpu.memory_space<hbm>>
      %dma_wait3A_133 = arith.constant 0 : i32
      %dma_wait3A_134 = arith.constant 0 : i32
      %dma_wait3A_135 = tpu.memref_slice %arg3[%add3A_128, %dma_wait3A_133, %dma_wait3A_134] : memref<2528x2x128xi32, #tpu.memory_space<hbm>> -> memref<1x2x128xi32, #tpu.memory_space<hbm>>
      %dma_wait3A_136 = tpu.memref_squeeze %dma_wait3A_135 : memref<1x2x128xi32, #tpu.memory_space<hbm>> -> memref<2x128xi32, #tpu.memory_space<hbm>>
      tpu.wait_dma2 semaphore(%arg16 : memref<!tpu.dma_semaphore, #tpu.memory_space<semaphore_mem>>) src(%dma_wait3A_136 : memref<2x128xi32, #tpu.memory_space<hbm>>) dst(%arg8 : memref<2x128xi32, #tpu.memory_space<vmem>>)
      %dma_start3A_137 = arith.constant 0 : i32
      %dma_start3A_138 = arith.constant 0 : i32
      %dma_start3A_139 = tpu.memref_slice %arg8[%dma_start3A_137, %dma_start3A_138] : memref<2x128xi32, #tpu.memory_space<vmem>> -> memref<1x128xi32, #tpu.memory_space<vmem>>
      %dma_start3A_140 = tpu.memref_squeeze %dma_start3A_139 : memref<1x128xi32, #tpu.memory_space<vmem>> -> memref<128xi32, #tpu.memory_space<vmem>>
      %dma_start3A_141 = arith.constant 0 : i32
      %dma_start3A_142 = arith.constant 0 : i32
      %dma_start3A_143 = tpu.memref_slice %arg2[%dma_start3A_141, %dma_start3A_142] : memref<10240x128xf32, #tpu.memory_space<hbm>> -> memref<10240x128xf32, #tpu.memory_space<hbm>>
      tpu.enqueue_indirect_dma source(%dma_start3A_143 : memref<10240x128xf32, #tpu.memory_space<hbm>>) target(%arg12 : memref<128x128xf32, #tpu.memory_space<vmem>>) offsets(%dma_start3A_140 : memref<128xi32, #tpu.memory_space<vmem>>) semaphore(%arg14 : memref<!tpu.dma_semaphore, #tpu.memory_space<semaphore_mem>>)
      %dma_wait3A_144 = arith.constant 0 : i32
      %dma_wait3A_145 = arith.constant 0 : i32
      %dma_wait3A_146 = tpu.memref_slice %arg7[%dma_wait3A_144, %dma_wait3A_145] : memref<2x128xi32, #tpu.memory_space<vmem>> -> memref<1x128xi32, #tpu.memory_space<vmem>>
      %dma_wait3A_147 = tpu.memref_squeeze %dma_wait3A_146 : memref<1x128xi32, #tpu.memory_space<vmem>> -> memref<128xi32, #tpu.memory_space<vmem>>
      %dma_wait3A_148 = arith.constant 0 : i32
      %dma_wait3A_149 = arith.constant 0 : i32
      %dma_wait3A_150 = tpu.memref_slice %arg2[%dma_wait3A_148, %dma_wait3A_149] : memref<10240x128xf32, #tpu.memory_space<hbm>> -> memref<10240x128xf32, #tpu.memory_space<hbm>>
      tpu.wait_indirect_dma semaphore(%arg13 : memref<!tpu.dma_semaphore, #tpu.memory_space<semaphore_mem>>) src(%dma_wait3A_150 : memref<10240x128xf32, #tpu.memory_space<hbm>>) dst(%arg11 : memref<128x128xf32, #tpu.memory_space<vmem>>)
      %run_scoped3A_151 = arith.constant 1 : i32
      "tpu.region"() ({
        %run_scoped3A_280 = tpu.sem_alloc : memref<!tpu.dma_semaphore, #tpu.memory_space<semaphore_mem>>
        %dma_start3A_281 = arith.constant 0 : i32
        %dma_start3A_282 = tpu.memref_slice %arg7[%run_scoped3A_151, %dma_start3A_281] : memref<2x128xi32, #tpu.memory_space<vmem>> -> memref<1x128xi32, #tpu.memory_space<vmem>>
        %dma_start3A_283 = tpu.memref_squeeze %dma_start3A_282 : memref<1x128xi32, #tpu.memory_space<vmem>> -> memref<128xi32, #tpu.memory_space<vmem>>
        %dma_start3A_284 = arith.constant 0 : i32
        %dma_start3A_285 = arith.constant 0 : i32
        %dma_start3A_286 = tpu.memref_slice %arg6[%dma_start3A_284, %dma_start3A_285] : memref<10240x128xf32, #tpu.memory_space<vmem_shared>> -> memref<10240x128xf32, #tpu.memory_space<vmem_shared>>
        tpu.enqueue_indirect_dma source(%arg11 : memref<128x128xf32, #tpu.memory_space<vmem>>) target(%dma_start3A_286 : memref<10240x128xf32, #tpu.memory_space<vmem_shared>>) offsets(%dma_start3A_283 : memref<128xi32, #tpu.memory_space<vmem>>) semaphore(%run_scoped3A_280 : memref<!tpu.dma_semaphore, #tpu.memory_space<semaphore_mem>>) {add = true}
        %dma_wait3A_287 = arith.constant 0 : i32
        %dma_wait3A_288 = tpu.memref_slice %arg7[%run_scoped3A_151, %dma_wait3A_287] : memref<2x128xi32, #tpu.memory_space<vmem>> -> memref<1x128xi32, #tpu.memory_space<vmem>>
        %dma_wait3A_289 = tpu.memref_squeeze %dma_wait3A_288 : memref<1x128xi32, #tpu.memory_space<vmem>> -> memref<128xi32, #tpu.memory_space<vmem>>
        %dma_wait3A_290 = arith.constant 0 : i32
        %dma_wait3A_291 = arith.constant 0 : i32
        %dma_wait3A_292 = tpu.memref_slice %arg6[%dma_wait3A_290, %dma_wait3A_291] : memref<10240x128xf32, #tpu.memory_space<vmem_shared>> -> memref<10240x128xf32, #tpu.memory_space<vmem_shared>>
        tpu.wait_indirect_dma semaphore(%run_scoped3A_280 : memref<!tpu.dma_semaphore, #tpu.memory_space<semaphore_mem>>) src(%arg11 : memref<128x128xf32, #tpu.memory_space<vmem>>) dst(%dma_wait3A_292 : memref<10240x128xf32, #tpu.memory_space<vmem_shared>>)
        tpu.yield
      }) : () -> ()
      %add3A_152 = arith.constant 3 : i32
      %add3A_153 = arith.addi %add3A_125, %add3A_152 : i32
      %add3A_154 = arith.addi %mul3A_4, %add3A_153 : i32
      %dma_start3A_155 = arith.constant 0 : i32
      %dma_start3A_156 = arith.constant 0 : i32
      %dma_start3A_157 = tpu.memref_slice %arg3[%add3A_154, %dma_start3A_155, %dma_start3A_156] : memref<2528x2x128xi32, #tpu.memory_space<hbm>> -> memref<1x2x128xi32, #tpu.memory_space<hbm>>
      %dma_start3A_158 = tpu.memref_squeeze %dma_start3A_157 : memref<1x2x128xi32, #tpu.memory_space<hbm>> -> memref<2x128xi32, #tpu.memory_space<hbm>>
      %dma_start3A_159 = arith.constant 0 : i32
      %dma_start3A_160 = arith.constant 0 : i32
      %dma_start3A_161 = tpu.memref_slice %arg3[%add3A_154, %dma_start3A_159, %dma_start3A_160] : memref<2528x2x128xi32, #tpu.memory_space<hbm>> -> memref<1x2x128xi32, #tpu.memory_space<hbm>>
      %dma_start3A_162 = tpu.memref_squeeze %dma_start3A_161 : memref<1x2x128xi32, #tpu.memory_space<hbm>> -> memref<2x128xi32, #tpu.memory_space<hbm>>
      tpu.enqueue_dma source(%dma_start3A_162 : memref<2x128xi32, #tpu.memory_space<hbm>>) target(%arg10 : memref<2x128xi32, #tpu.memory_space<vmem>>) target_semaphore(%arg18 : memref<!tpu.dma_semaphore, #tpu.memory_space<semaphore_mem>>)
      %add3A_163 = arith.constant 1 : i32
      %add3A_164 = arith.addi %mul3A_123, %add3A_163 : i32
      %add3A_165 = arith.constant 1 : i32
      %add3A_166 = arith.addi %add3A_164, %add3A_165 : i32
      %add3A_167 = arith.addi %mul3A_4, %add3A_166 : i32
      %dma_wait3A_168 = arith.constant 0 : i32
      %dma_wait3A_169 = arith.constant 0 : i32
      %dma_wait3A_170 = tpu.memref_slice %arg3[%add3A_167, %dma_wait3A_168, %dma_wait3A_169] : memref<2528x2x128xi32, #tpu.memory_space<hbm>> -> memref<1x2x128xi32, #tpu.memory_space<hbm>>
      %dma_wait3A_171 = tpu.memref_squeeze %dma_wait3A_170 : memref<1x2x128xi32, #tpu.memory_space<hbm>> -> memref<2x128xi32, #tpu.memory_space<hbm>>
      %dma_wait3A_172 = arith.constant 0 : i32
      %dma_wait3A_173 = arith.constant 0 : i32
      %dma_wait3A_174 = tpu.memref_slice %arg3[%add3A_167, %dma_wait3A_172, %dma_wait3A_173] : memref<2528x2x128xi32, #tpu.memory_space<hbm>> -> memref<1x2x128xi32, #tpu.memory_space<hbm>>
      %dma_wait3A_175 = tpu.memref_squeeze %dma_wait3A_174 : memref<1x2x128xi32, #tpu.memory_space<hbm>> -> memref<2x128xi32, #tpu.memory_space<hbm>>
      tpu.wait_dma2 semaphore(%arg17 : memref<!tpu.dma_semaphore, #tpu.memory_space<semaphore_mem>>) src(%dma_wait3A_175 : memref<2x128xi32, #tpu.memory_space<hbm>>) dst(%arg9 : memref<2x128xi32, #tpu.memory_space<vmem>>)
      %dma_start3A_176 = arith.constant 0 : i32
      %dma_start3A_177 = arith.constant 0 : i32
      %dma_start3A_178 = tpu.memref_slice %arg9[%dma_start3A_176, %dma_start3A_177] : memref<2x128xi32, #tpu.memory_space<vmem>> -> memref<1x128xi32, #tpu.memory_space<vmem>>
      %dma_start3A_179 = tpu.memref_squeeze %dma_start3A_178 : memref<1x128xi32, #tpu.memory_space<vmem>> -> memref<128xi32, #tpu.memory_space<vmem>>
      %dma_start3A_180 = arith.constant 0 : i32
      %dma_start3A_181 = arith.constant 0 : i32
      %dma_start3A_182 = tpu.memref_slice %arg2[%dma_start3A_180, %dma_start3A_181] : memref<10240x128xf32, #tpu.memory_space<hbm>> -> memref<10240x128xf32, #tpu.memory_space<hbm>>
      tpu.enqueue_indirect_dma source(%dma_start3A_182 : memref<10240x128xf32, #tpu.memory_space<hbm>>) target(%arg11 : memref<128x128xf32, #tpu.memory_space<vmem>>) offsets(%dma_start3A_179 : memref<128xi32, #tpu.memory_space<vmem>>) semaphore(%arg13 : memref<!tpu.dma_semaphore, #tpu.memory_space<semaphore_mem>>)
      %dma_wait3A_183 = arith.constant 0 : i32
      %dma_wait3A_184 = arith.constant 0 : i32
      %dma_wait3A_185 = tpu.memref_slice %arg8[%dma_wait3A_183, %dma_wait3A_184] : memref<2x128xi32, #tpu.memory_space<vmem>> -> memref<1x128xi32, #tpu.memory_space<vmem>>
      %dma_wait3A_186 = tpu.memref_squeeze %dma_wait3A_185 : memref<1x128xi32, #tpu.memory_space<vmem>> -> memref<128xi32, #tpu.memory_space<vmem>>
      %dma_wait3A_187 = arith.constant 0 : i32
      %dma_wait3A_188 = arith.constant 0 : i32
      %dma_wait3A_189 = tpu.memref_slice %arg2[%dma_wait3A_187, %dma_wait3A_188] : memref<10240x128xf32, #tpu.memory_space<hbm>> -> memref<10240x128xf32, #tpu.memory_space<hbm>>
      tpu.wait_indirect_dma semaphore(%arg14 : memref<!tpu.dma_semaphore, #tpu.memory_space<semaphore_mem>>) src(%dma_wait3A_189 : memref<10240x128xf32, #tpu.memory_space<hbm>>) dst(%arg12 : memref<128x128xf32, #tpu.memory_space<vmem>>)
      %run_scoped3A_190 = arith.constant 1 : i32
      "tpu.region"() ({
        %run_scoped3A_280 = tpu.sem_alloc : memref<!tpu.dma_semaphore, #tpu.memory_space<semaphore_mem>>
        %dma_start3A_281 = arith.constant 0 : i32
        %dma_start3A_282 = tpu.memref_slice %arg8[%run_scoped3A_190, %dma_start3A_281] : memref<2x128xi32, #tpu.memory_space<vmem>> -> memref<1x128xi32, #tpu.memory_space<vmem>>
        %dma_start3A_283 = tpu.memref_squeeze %dma_start3A_282 : memref<1x128xi32, #tpu.memory_space<vmem>> -> memref<128xi32, #tpu.memory_space<vmem>>
        %dma_start3A_284 = arith.constant 0 : i32
        %dma_start3A_285 = arith.constant 0 : i32
        %dma_start3A_286 = tpu.memref_slice %arg6[%dma_start3A_284, %dma_start3A_285] : memref<10240x128xf32, #tpu.memory_space<vmem_shared>> -> memref<10240x128xf32, #tpu.memory_space<vmem_shared>>
        tpu.enqueue_indirect_dma source(%arg12 : memref<128x128xf32, #tpu.memory_space<vmem>>) target(%dma_start3A_286 : memref<10240x128xf32, #tpu.memory_space<vmem_shared>>) offsets(%dma_start3A_283 : memref<128xi32, #tpu.memory_space<vmem>>) semaphore(%run_scoped3A_280 : memref<!tpu.dma_semaphore, #tpu.memory_space<semaphore_mem>>) {add = true}
        %dma_wait3A_287 = arith.constant 0 : i32
        %dma_wait3A_288 = tpu.memref_slice %arg8[%run_scoped3A_190, %dma_wait3A_287] : memref<2x128xi32, #tpu.memory_space<vmem>> -> memref<1x128xi32, #tpu.memory_space<vmem>>
        %dma_wait3A_289 = tpu.memref_squeeze %dma_wait3A_288 : memref<1x128xi32, #tpu.memory_space<vmem>> -> memref<128xi32, #tpu.memory_space<vmem>>
        %dma_wait3A_290 = arith.constant 0 : i32
        %dma_wait3A_291 = arith.constant 0 : i32
        %dma_wait3A_292 = tpu.memref_slice %arg6[%dma_wait3A_290, %dma_wait3A_291] : memref<10240x128xf32, #tpu.memory_space<vmem_shared>> -> memref<10240x128xf32, #tpu.memory_space<vmem_shared>>
        tpu.wait_indirect_dma semaphore(%run_scoped3A_280 : memref<!tpu.dma_semaphore, #tpu.memory_space<semaphore_mem>>) src(%arg12 : memref<128x128xf32, #tpu.memory_space<vmem>>) dst(%dma_wait3A_292 : memref<10240x128xf32, #tpu.memory_space<vmem_shared>>)
        tpu.yield
      }) : () -> ()
      %add3A_191 = arith.constant 3 : i32
      %add3A_192 = arith.addi %add3A_164, %add3A_191 : i32
      %add3A_193 = arith.addi %mul3A_4, %add3A_192 : i32
      %dma_start3A_194 = arith.constant 0 : i32
      %dma_start3A_195 = arith.constant 0 : i32
      %dma_start3A_196 = tpu.memref_slice %arg3[%add3A_193, %dma_start3A_194, %dma_start3A_195] : memref<2528x2x128xi32, #tpu.memory_space<hbm>> -> memref<1x2x128xi32, #tpu.memory_space<hbm>>
      %dma_start3A_197 = tpu.memref_squeeze %dma_start3A_196 : memref<1x2x128xi32, #tpu.memory_space<hbm>> -> memref<2x128xi32, #tpu.memory_space<hbm>>
      %dma_start3A_198 = arith.constant 0 : i32
      %dma_start3A_199 = arith.constant 0 : i32
      %dma_start3A_200 = tpu.memref_slice %arg3[%add3A_193, %dma_start3A_198, %dma_start3A_199] : memref<2528x2x128xi32, #tpu.memory_space<hbm>> -> memref<1x2x128xi32, #tpu.memory_space<hbm>>
      %dma_start3A_201 = tpu.memref_squeeze %dma_start3A_200 : memref<1x2x128xi32, #tpu.memory_space<hbm>> -> memref<2x128xi32, #tpu.memory_space<hbm>>
      tpu.enqueue_dma source(%dma_start3A_201 : memref<2x128xi32, #tpu.memory_space<hbm>>) target(%arg7 : memref<2x128xi32, #tpu.memory_space<vmem>>) target_semaphore(%arg15 : memref<!tpu.dma_semaphore, #tpu.memory_space<semaphore_mem>>)
      %add3A_202 = arith.constant 2 : i32
      %add3A_203 = arith.addi %mul3A_123, %add3A_202 : i32
      %add3A_204 = arith.constant 1 : i32
      %add3A_205 = arith.addi %add3A_203, %add3A_204 : i32
      %add3A_206 = arith.addi %mul3A_4, %add3A_205 : i32
      %dma_wait3A_207 = arith.constant 0 : i32
      %dma_wait3A_208 = arith.constant 0 : i32
      %dma_wait3A_209 = tpu.memref_slice %arg3[%add3A_206, %dma_wait3A_207, %dma_wait3A_208] : memref<2528x2x128xi32, #tpu.memory_space<hbm>> -> memref<1x2x128xi32, #tpu.memory_space<hbm>>
      %dma_wait3A_210 = tpu.memref_squeeze %dma_wait3A_209 : memref<1x2x128xi32, #tpu.memory_space<hbm>> -> memref<2x128xi32, #tpu.memory_space<hbm>>
      %dma_wait3A_211 = arith.constant 0 : i32
      %dma_wait3A_212 = arith.constant 0 : i32
      %dma_wait3A_213 = tpu.memref_slice %arg3[%add3A_206, %dma_wait3A_211, %dma_wait3A_212] : memref<2528x2x128xi32, #tpu.memory_space<hbm>> -> memref<1x2x128xi32, #tpu.memory_space<hbm>>
      %dma_wait3A_214 = tpu.memref_squeeze %dma_wait3A_213 : memref<1x2x128xi32, #tpu.memory_space<hbm>> -> memref<2x128xi32, #tpu.memory_space<hbm>>
      tpu.wait_dma2 semaphore(%arg18 : memref<!tpu.dma_semaphore, #tpu.memory_space<semaphore_mem>>) src(%dma_wait3A_214 : memref<2x128xi32, #tpu.memory_space<hbm>>) dst(%arg10 : memref<2x128xi32, #tpu.memory_space<vmem>>)
      %dma_start3A_215 = arith.constant 0 : i32
      %dma_start3A_216 = arith.constant 0 : i32
      %dma_start3A_217 = tpu.memref_slice %arg10[%dma_start3A_215, %dma_start3A_216] : memref<2x128xi32, #tpu.memory_space<vmem>> -> memref<1x128xi32, #tpu.memory_space<vmem>>
      %dma_start3A_218 = tpu.memref_squeeze %dma_start3A_217 : memref<1x128xi32, #tpu.memory_space<vmem>> -> memref<128xi32, #tpu.memory_space<vmem>>
      %dma_start3A_219 = arith.constant 0 : i32
      %dma_start3A_220 = arith.constant 0 : i32
      %dma_start3A_221 = tpu.memref_slice %arg2[%dma_start3A_219, %dma_start3A_220] : memref<10240x128xf32, #tpu.memory_space<hbm>> -> memref<10240x128xf32, #tpu.memory_space<hbm>>
      tpu.enqueue_indirect_dma source(%dma_start3A_221 : memref<10240x128xf32, #tpu.memory_space<hbm>>) target(%arg12 : memref<128x128xf32, #tpu.memory_space<vmem>>) offsets(%dma_start3A_218 : memref<128xi32, #tpu.memory_space<vmem>>) semaphore(%arg14 : memref<!tpu.dma_semaphore, #tpu.memory_space<semaphore_mem>>)
      %dma_wait3A_222 = arith.constant 0 : i32
      %dma_wait3A_223 = arith.constant 0 : i32
      %dma_wait3A_224 = tpu.memref_slice %arg9[%dma_wait3A_222, %dma_wait3A_223] : memref<2x128xi32, #tpu.memory_space<vmem>> -> memref<1x128xi32, #tpu.memory_space<vmem>>
      %dma_wait3A_225 = tpu.memref_squeeze %dma_wait3A_224 : memref<1x128xi32, #tpu.memory_space<vmem>> -> memref<128xi32, #tpu.memory_space<vmem>>
      %dma_wait3A_226 = arith.constant 0 : i32
      %dma_wait3A_227 = arith.constant 0 : i32
      %dma_wait3A_228 = tpu.memref_slice %arg2[%dma_wait3A_226, %dma_wait3A_227] : memref<10240x128xf32, #tpu.memory_space<hbm>> -> memref<10240x128xf32, #tpu.memory_space<hbm>>
      tpu.wait_indirect_dma semaphore(%arg13 : memref<!tpu.dma_semaphore, #tpu.memory_space<semaphore_mem>>) src(%dma_wait3A_228 : memref<10240x128xf32, #tpu.memory_space<hbm>>) dst(%arg11 : memref<128x128xf32, #tpu.memory_space<vmem>>)
      %run_scoped3A_229 = arith.constant 1 : i32
      "tpu.region"() ({
        %run_scoped3A_280 = tpu.sem_alloc : memref<!tpu.dma_semaphore, #tpu.memory_space<semaphore_mem>>
        %dma_start3A_281 = arith.constant 0 : i32
        %dma_start3A_282 = tpu.memref_slice %arg9[%run_scoped3A_229, %dma_start3A_281] : memref<2x128xi32, #tpu.memory_space<vmem>> -> memref<1x128xi32, #tpu.memory_space<vmem>>
        %dma_start3A_283 = tpu.memref_squeeze %dma_start3A_282 : memref<1x128xi32, #tpu.memory_space<vmem>> -> memref<128xi32, #tpu.memory_space<vmem>>
        %dma_start3A_284 = arith.constant 0 : i32
        %dma_start3A_285 = arith.constant 0 : i32
        %dma_start3A_286 = tpu.memref_slice %arg6[%dma_start3A_284, %dma_start3A_285] : memref<10240x128xf32, #tpu.memory_space<vmem_shared>> -> memref<10240x128xf32, #tpu.memory_space<vmem_shared>>
        tpu.enqueue_indirect_dma source(%arg11 : memref<128x128xf32, #tpu.memory_space<vmem>>) target(%dma_start3A_286 : memref<10240x128xf32, #tpu.memory_space<vmem_shared>>) offsets(%dma_start3A_283 : memref<128xi32, #tpu.memory_space<vmem>>) semaphore(%run_scoped3A_280 : memref<!tpu.dma_semaphore, #tpu.memory_space<semaphore_mem>>) {add = true}
        %dma_wait3A_287 = arith.constant 0 : i32
        %dma_wait3A_288 = tpu.memref_slice %arg9[%run_scoped3A_229, %dma_wait3A_287] : memref<2x128xi32, #tpu.memory_space<vmem>> -> memref<1x128xi32, #tpu.memory_space<vmem>>
        %dma_wait3A_289 = tpu.memref_squeeze %dma_wait3A_288 : memref<1x128xi32, #tpu.memory_space<vmem>> -> memref<128xi32, #tpu.memory_space<vmem>>
        %dma_wait3A_290 = arith.constant 0 : i32
        %dma_wait3A_291 = arith.constant 0 : i32
        %dma_wait3A_292 = tpu.memref_slice %arg6[%dma_wait3A_290, %dma_wait3A_291] : memref<10240x128xf32, #tpu.memory_space<vmem_shared>> -> memref<10240x128xf32, #tpu.memory_space<vmem_shared>>
        tpu.wait_indirect_dma semaphore(%run_scoped3A_280 : memref<!tpu.dma_semaphore, #tpu.memory_space<semaphore_mem>>) src(%arg11 : memref<128x128xf32, #tpu.memory_space<vmem>>) dst(%dma_wait3A_292 : memref<10240x128xf32, #tpu.memory_space<vmem_shared>>)
        tpu.yield
      }) : () -> ()
      %add3A_230 = arith.constant 3 : i32
      %add3A_231 = arith.addi %add3A_203, %add3A_230 : i32
      %add3A_232 = arith.addi %mul3A_4, %add3A_231 : i32
      %dma_start3A_233 = arith.constant 0 : i32
      %dma_start3A_234 = arith.constant 0 : i32
      %dma_start3A_235 = tpu.memref_slice %arg3[%add3A_232, %dma_start3A_233, %dma_start3A_234] : memref<2528x2x128xi32, #tpu.memory_space<hbm>> -> memref<1x2x128xi32, #tpu.memory_space<hbm>>
      %dma_start3A_236 = tpu.memref_squeeze %dma_start3A_235 : memref<1x2x128xi32, #tpu.memory_space<hbm>> -> memref<2x128xi32, #tpu.memory_space<hbm>>
      %dma_start3A_237 = arith.constant 0 : i32
      %dma_start3A_238 = arith.constant 0 : i32
      %dma_start3A_239 = tpu.memref_slice %arg3[%add3A_232, %dma_start3A_237, %dma_start3A_238] : memref<2528x2x128xi32, #tpu.memory_space<hbm>> -> memref<1x2x128xi32, #tpu.memory_space<hbm>>
      %dma_start3A_240 = tpu.memref_squeeze %dma_start3A_239 : memref<1x2x128xi32, #tpu.memory_space<hbm>> -> memref<2x128xi32, #tpu.memory_space<hbm>>
      tpu.enqueue_dma source(%dma_start3A_240 : memref<2x128xi32, #tpu.memory_space<hbm>>) target(%arg8 : memref<2x128xi32, #tpu.memory_space<vmem>>) target_semaphore(%arg16 : memref<!tpu.dma_semaphore, #tpu.memory_space<semaphore_mem>>)
      %add3A_241 = arith.constant 3 : i32
      %add3A_242 = arith.addi %mul3A_123, %add3A_241 : i32
      %add3A_243 = arith.constant 1 : i32
      %add3A_244 = arith.addi %add3A_242, %add3A_243 : i32
      %add3A_245 = arith.addi %mul3A_4, %add3A_244 : i32
      %dma_wait3A_246 = arith.constant 0 : i32
      %dma_wait3A_247 = arith.constant 0 : i32
      %dma_wait3A_248 = tpu.memref_slice %arg3[%add3A_245, %dma_wait3A_246, %dma_wait3A_247] : memref<2528x2x128xi32, #tpu.memory_space<hbm>> -> memref<1x2x128xi32, #tpu.memory_space<hbm>>
      %dma_wait3A_249 = tpu.memref_squeeze %dma_wait3A_248 : memref<1x2x128xi32, #tpu.memory_space<hbm>> -> memref<2x128xi32, #tpu.memory_space<hbm>>
      %dma_wait3A_250 = arith.constant 0 : i32
      %dma_wait3A_251 = arith.constant 0 : i32
      %dma_wait3A_252 = tpu.memref_slice %arg3[%add3A_245, %dma_wait3A_250, %dma_wait3A_251] : memref<2528x2x128xi32, #tpu.memory_space<hbm>> -> memref<1x2x128xi32, #tpu.memory_space<hbm>>
      %dma_wait3A_253 = tpu.memref_squeeze %dma_wait3A_252 : memref<1x2x128xi32, #tpu.memory_space<hbm>> -> memref<2x128xi32, #tpu.memory_space<hbm>>
      tpu.wait_dma2 semaphore(%arg15 : memref<!tpu.dma_semaphore, #tpu.memory_space<semaphore_mem>>) src(%dma_wait3A_253 : memref<2x128xi32, #tpu.memory_space<hbm>>) dst(%arg7 : memref<2x128xi32, #tpu.memory_space<vmem>>)
      %dma_start3A_254 = arith.constant 0 : i32
      %dma_start3A_255 = arith.constant 0 : i32
      %dma_start3A_256 = tpu.memref_slice %arg7[%dma_start3A_254, %dma_start3A_255] : memref<2x128xi32, #tpu.memory_space<vmem>> -> memref<1x128xi32, #tpu.memory_space<vmem>>
      %dma_start3A_257 = tpu.memref_squeeze %dma_start3A_256 : memref<1x128xi32, #tpu.memory_space<vmem>> -> memref<128xi32, #tpu.memory_space<vmem>>
      %dma_start3A_258 = arith.constant 0 : i32
      %dma_start3A_259 = arith.constant 0 : i32
      %dma_start3A_260 = tpu.memref_slice %arg2[%dma_start3A_258, %dma_start3A_259] : memref<10240x128xf32, #tpu.memory_space<hbm>> -> memref<10240x128xf32, #tpu.memory_space<hbm>>
      tpu.enqueue_indirect_dma source(%dma_start3A_260 : memref<10240x128xf32, #tpu.memory_space<hbm>>) target(%arg11 : memref<128x128xf32, #tpu.memory_space<vmem>>) offsets(%dma_start3A_257 : memref<128xi32, #tpu.memory_space<vmem>>) semaphore(%arg13 : memref<!tpu.dma_semaphore, #tpu.memory_space<semaphore_mem>>)
      %dma_wait3A_261 = arith.constant 0 : i32
      %dma_wait3A_262 = arith.constant 0 : i32
      %dma_wait3A_263 = tpu.memref_slice %arg10[%dma_wait3A_261, %dma_wait3A_262] : memref<2x128xi32, #tpu.memory_space<vmem>> -> memref<1x128xi32, #tpu.memory_space<vmem>>
      %dma_wait3A_264 = tpu.memref_squeeze %dma_wait3A_263 : memref<1x128xi32, #tpu.memory_space<vmem>> -> memref<128xi32, #tpu.memory_space<vmem>>
      %dma_wait3A_265 = arith.constant 0 : i32
      %dma_wait3A_266 = arith.constant 0 : i32
      %dma_wait3A_267 = tpu.memref_slice %arg2[%dma_wait3A_265, %dma_wait3A_266] : memref<10240x128xf32, #tpu.memory_space<hbm>> -> memref<10240x128xf32, #tpu.memory_space<hbm>>
      tpu.wait_indirect_dma semaphore(%arg14 : memref<!tpu.dma_semaphore, #tpu.memory_space<semaphore_mem>>) src(%dma_wait3A_267 : memref<10240x128xf32, #tpu.memory_space<hbm>>) dst(%arg12 : memref<128x128xf32, #tpu.memory_space<vmem>>)
      %run_scoped3A_268 = arith.constant 1 : i32
      "tpu.region"() ({
        %run_scoped3A_280 = tpu.sem_alloc : memref<!tpu.dma_semaphore, #tpu.memory_space<semaphore_mem>>
        %dma_start3A_281 = arith.constant 0 : i32
        %dma_start3A_282 = tpu.memref_slice %arg10[%run_scoped3A_268, %dma_start3A_281] : memref<2x128xi32, #tpu.memory_space<vmem>> -> memref<1x128xi32, #tpu.memory_space<vmem>>
        %dma_start3A_283 = tpu.memref_squeeze %dma_start3A_282 : memref<1x128xi32, #tpu.memory_space<vmem>> -> memref<128xi32, #tpu.memory_space<vmem>>
        %dma_start3A_284 = arith.constant 0 : i32
        %dma_start3A_285 = arith.constant 0 : i32
        %dma_start3A_286 = tpu.memref_slice %arg6[%dma_start3A_284, %dma_start3A_285] : memref<10240x128xf32, #tpu.memory_space<vmem_shared>> -> memref<10240x128xf32, #tpu.memory_space<vmem_shared>>
        tpu.enqueue_indirect_dma source(%arg12 : memref<128x128xf32, #tpu.memory_space<vmem>>) target(%dma_start3A_286 : memref<10240x128xf32, #tpu.memory_space<vmem_shared>>) offsets(%dma_start3A_283 : memref<128xi32, #tpu.memory_space<vmem>>) semaphore(%run_scoped3A_280 : memref<!tpu.dma_semaphore, #tpu.memory_space<semaphore_mem>>) {add = true}
        %dma_wait3A_287 = arith.constant 0 : i32
        %dma_wait3A_288 = tpu.memref_slice %arg10[%run_scoped3A_268, %dma_wait3A_287] : memref<2x128xi32, #tpu.memory_space<vmem>> -> memref<1x128xi32, #tpu.memory_space<vmem>>
        %dma_wait3A_289 = tpu.memref_squeeze %dma_wait3A_288 : memref<1x128xi32, #tpu.memory_space<vmem>> -> memref<128xi32, #tpu.memory_space<vmem>>
        %dma_wait3A_290 = arith.constant 0 : i32
        %dma_wait3A_291 = arith.constant 0 : i32
        %dma_wait3A_292 = tpu.memref_slice %arg6[%dma_wait3A_290, %dma_wait3A_291] : memref<10240x128xf32, #tpu.memory_space<vmem_shared>> -> memref<10240x128xf32, #tpu.memory_space<vmem_shared>>
        tpu.wait_indirect_dma semaphore(%run_scoped3A_280 : memref<!tpu.dma_semaphore, #tpu.memory_space<semaphore_mem>>) src(%arg12 : memref<128x128xf32, #tpu.memory_space<vmem>>) dst(%dma_wait3A_292 : memref<10240x128xf32, #tpu.memory_space<vmem_shared>>)
        tpu.yield
      }) : () -> ()
      %add3A_269 = arith.constant 3 : i32
      %add3A_270 = arith.addi %add3A_242, %add3A_269 : i32
      %add3A_271 = arith.addi %mul3A_4, %add3A_270 : i32
      %dma_start3A_272 = arith.constant 0 : i32
      %dma_start3A_273 = arith.constant 0 : i32
      %dma_start3A_274 = tpu.memref_slice %arg3[%add3A_271, %dma_start3A_272, %dma_start3A_273] : memref<2528x2x128xi32, #tpu.memory_space<hbm>> -> memref<1x2x128xi32, #tpu.memory_space<hbm>>
      %dma_start3A_275 = tpu.memref_squeeze %dma_start3A_274 : memref<1x2x128xi32, #tpu.memory_space<hbm>> -> memref<2x128xi32, #tpu.memory_space<hbm>>
      %dma_start3A_276 = arith.constant 0 : i32
      %dma_start3A_277 = arith.constant 0 : i32
      %dma_start3A_278 = tpu.memref_slice %arg3[%add3A_271, %dma_start3A_276, %dma_start3A_277] : memref<2528x2x128xi32, #tpu.memory_space<hbm>> -> memref<1x2x128xi32, #tpu.memory_space<hbm>>
      %dma_start3A_279 = tpu.memref_squeeze %dma_start3A_278 : memref<1x2x128xi32, #tpu.memory_space<hbm>> -> memref<2x128xi32, #tpu.memory_space<hbm>>
      tpu.enqueue_dma source(%dma_start3A_279 : memref<2x128xi32, #tpu.memory_space<hbm>>) target(%arg9 : memref<2x128xi32, #tpu.memory_space<vmem>>) target_semaphore(%arg17 : memref<!tpu.dma_semaphore, #tpu.memory_space<semaphore_mem>>)
    }
    %scan3A_62 = arith.constant 19 : i32
    %add3A_63 = arith.constant 77 : i32
    %add3A_64 = arith.addi %mul3A_4, %add3A_63 : i32
    %dma_wait3A_65 = arith.constant 0 : i32
    %dma_wait3A_66 = arith.constant 0 : i32
    %dma_wait3A_67 = tpu.memref_slice %arg3[%add3A_64, %dma_wait3A_65, %dma_wait3A_66] : memref<2528x2x128xi32, #tpu.memory_space<hbm>> -> memref<1x2x128xi32, #tpu.memory_space<hbm>>
    %dma_wait3A_68 = tpu.memref_squeeze %dma_wait3A_67 : memref<1x2x128xi32, #tpu.memory_space<hbm>> -> memref<2x128xi32, #tpu.memory_space<hbm>>
    %dma_wait3A_69 = arith.constant 0 : i32
    %dma_wait3A_70 = arith.constant 0 : i32
    %dma_wait3A_71 = tpu.memref_slice %arg3[%add3A_64, %dma_wait3A_69, %dma_wait3A_70] : memref<2528x2x128xi32, #tpu.memory_space<hbm>> -> memref<1x2x128xi32, #tpu.memory_space<hbm>>
    %dma_wait3A_72 = tpu.memref_squeeze %dma_wait3A_71 : memref<1x2x128xi32, #tpu.memory_space<hbm>> -> memref<2x128xi32, #tpu.memory_space<hbm>>
    tpu.wait_dma2 semaphore(%arg16 : memref<!tpu.dma_semaphore, #tpu.memory_space<semaphore_mem>>) src(%dma_wait3A_72 : memref<2x128xi32, #tpu.memory_space<hbm>>) dst(%arg8 : memref<2x128xi32, #tpu.memory_space<vmem>>)
    %dma_start3A_73 = arith.constant 0 : i32
    %dma_start3A_74 = arith.constant 0 : i32
    %dma_start3A_75 = tpu.memref_slice %arg8[%dma_start3A_73, %dma_start3A_74] : memref<2x128xi32, #tpu.memory_space<vmem>> -> memref<1x128xi32, #tpu.memory_space<vmem>>
    %dma_start3A_76 = tpu.memref_squeeze %dma_start3A_75 : memref<1x128xi32, #tpu.memory_space<vmem>> -> memref<128xi32, #tpu.memory_space<vmem>>
    %dma_start3A_77 = arith.constant 0 : i32
    %dma_start3A_78 = arith.constant 0 : i32
    %dma_start3A_79 = tpu.memref_slice %arg2[%dma_start3A_77, %dma_start3A_78] : memref<10240x128xf32, #tpu.memory_space<hbm>> -> memref<10240x128xf32, #tpu.memory_space<hbm>>
    tpu.enqueue_indirect_dma source(%dma_start3A_79 : memref<10240x128xf32, #tpu.memory_space<hbm>>) target(%arg12 : memref<128x128xf32, #tpu.memory_space<vmem>>) offsets(%dma_start3A_76 : memref<128xi32, #tpu.memory_space<vmem>>) semaphore(%arg14 : memref<!tpu.dma_semaphore, #tpu.memory_space<semaphore_mem>>)
    %dma_wait3A_80 = arith.constant 0 : i32
    %dma_wait3A_81 = arith.constant 0 : i32
    %dma_wait3A_82 = tpu.memref_slice %arg7[%dma_wait3A_80, %dma_wait3A_81] : memref<2x128xi32, #tpu.memory_space<vmem>> -> memref<1x128xi32, #tpu.memory_space<vmem>>
    %dma_wait3A_83 = tpu.memref_squeeze %dma_wait3A_82 : memref<1x128xi32, #tpu.memory_space<vmem>> -> memref<128xi32, #tpu.memory_space<vmem>>
    %dma_wait3A_84 = arith.constant 0 : i32
    %dma_wait3A_85 = arith.constant 0 : i32
    %dma_wait3A_86 = tpu.memref_slice %arg2[%dma_wait3A_84, %dma_wait3A_85] : memref<10240x128xf32, #tpu.memory_space<hbm>> -> memref<10240x128xf32, #tpu.memory_space<hbm>>
    tpu.wait_indirect_dma semaphore(%arg13 : memref<!tpu.dma_semaphore, #tpu.memory_space<semaphore_mem>>) src(%dma_wait3A_86 : memref<10240x128xf32, #tpu.memory_space<hbm>>) dst(%arg11 : memref<128x128xf32, #tpu.memory_space<vmem>>)
    %run_scoped3A = arith.constant 1 : i32
    "tpu.region"() ({
      %run_scoped3A_121 = tpu.sem_alloc : memref<!tpu.dma_semaphore, #tpu.memory_space<semaphore_mem>>
      %dma_start3A_122 = arith.constant 0 : i32
      %dma_start3A_123 = tpu.memref_slice %arg7[%run_scoped3A, %dma_start3A_122] : memref<2x128xi32, #tpu.memory_space<vmem>> -> memref<1x128xi32, #tpu.memory_space<vmem>>
      %dma_start3A_124 = tpu.memref_squeeze %dma_start3A_123 : memref<1x128xi32, #tpu.memory_space<vmem>> -> memref<128xi32, #tpu.memory_space<vmem>>
      %dma_start3A_125 = arith.constant 0 : i32
      %dma_start3A_126 = arith.constant 0 : i32
      %dma_start3A_127 = tpu.memref_slice %arg6[%dma_start3A_125, %dma_start3A_126] : memref<10240x128xf32, #tpu.memory_space<vmem_shared>> -> memref<10240x128xf32, #tpu.memory_space<vmem_shared>>
      tpu.enqueue_indirect_dma source(%arg11 : memref<128x128xf32, #tpu.memory_space<vmem>>) target(%dma_start3A_127 : memref<10240x128xf32, #tpu.memory_space<vmem_shared>>) offsets(%dma_start3A_124 : memref<128xi32, #tpu.memory_space<vmem>>) semaphore(%run_scoped3A_121 : memref<!tpu.dma_semaphore, #tpu.memory_space<semaphore_mem>>) {add = true}
      %dma_wait3A_128 = arith.constant 0 : i32
      %dma_wait3A_129 = tpu.memref_slice %arg7[%run_scoped3A, %dma_wait3A_128] : memref<2x128xi32, #tpu.memory_space<vmem>> -> memref<1x128xi32, #tpu.memory_space<vmem>>
      %dma_wait3A_130 = tpu.memref_squeeze %dma_wait3A_129 : memref<1x128xi32, #tpu.memory_space<vmem>> -> memref<128xi32, #tpu.memory_space<vmem>>
      %dma_wait3A_131 = arith.constant 0 : i32
      %dma_wait3A_132 = arith.constant 0 : i32
      %dma_wait3A_133 = tpu.memref_slice %arg6[%dma_wait3A_131, %dma_wait3A_132] : memref<10240x128xf32, #tpu.memory_space<vmem_shared>> -> memref<10240x128xf32, #tpu.memory_space<vmem_shared>>
      tpu.wait_indirect_dma semaphore(%run_scoped3A_121 : memref<!tpu.dma_semaphore, #tpu.memory_space<semaphore_mem>>) src(%arg11 : memref<128x128xf32, #tpu.memory_space<vmem>>) dst(%dma_wait3A_133 : memref<10240x128xf32, #tpu.memory_space<vmem_shared>>)
      tpu.yield
    }) : () -> ()
    %add3A_87 = arith.constant 78 : i32
    %add3A_88 = arith.addi %mul3A_4, %add3A_87 : i32
    %dma_wait3A_89 = arith.constant 0 : i32
    %dma_wait3A_90 = arith.constant 0 : i32
    %dma_wait3A_91 = tpu.memref_slice %arg3[%add3A_88, %dma_wait3A_89, %dma_wait3A_90] : memref<2528x2x128xi32, #tpu.memory_space<hbm>> -> memref<1x2x128xi32, #tpu.memory_space<hbm>>
    %dma_wait3A_92 = tpu.memref_squeeze %dma_wait3A_91 : memref<1x2x128xi32, #tpu.memory_space<hbm>> -> memref<2x128xi32, #tpu.memory_space<hbm>>
    %dma_wait3A_93 = arith.constant 0 : i32
    %dma_wait3A_94 = arith.constant 0 : i32
    %dma_wait3A_95 = tpu.memref_slice %arg3[%add3A_88, %dma_wait3A_93, %dma_wait3A_94] : memref<2528x2x128xi32, #tpu.memory_space<hbm>> -> memref<1x2x128xi32, #tpu.memory_space<hbm>>
    %dma_wait3A_96 = tpu.memref_squeeze %dma_wait3A_95 : memref<1x2x128xi32, #tpu.memory_space<hbm>> -> memref<2x128xi32, #tpu.memory_space<hbm>>
    tpu.wait_dma2 semaphore(%arg17 : memref<!tpu.dma_semaphore, #tpu.memory_space<semaphore_mem>>) src(%dma_wait3A_96 : memref<2x128xi32, #tpu.memory_space<hbm>>) dst(%arg9 : memref<2x128xi32, #tpu.memory_space<vmem>>)
    %dma_start3A_97 = arith.constant 0 : i32
    %dma_start3A_98 = arith.constant 0 : i32
    %dma_start3A_99 = tpu.memref_slice %arg9[%dma_start3A_97, %dma_start3A_98] : memref<2x128xi32, #tpu.memory_space<vmem>> -> memref<1x128xi32, #tpu.memory_space<vmem>>
    %dma_start3A_100 = tpu.memref_squeeze %dma_start3A_99 : memref<1x128xi32, #tpu.memory_space<vmem>> -> memref<128xi32, #tpu.memory_space<vmem>>
    %dma_start3A_101 = arith.constant 0 : i32
    %dma_start3A_102 = arith.constant 0 : i32
    %dma_start3A_103 = tpu.memref_slice %arg2[%dma_start3A_101, %dma_start3A_102] : memref<10240x128xf32, #tpu.memory_space<hbm>> -> memref<10240x128xf32, #tpu.memory_space<hbm>>
    tpu.enqueue_indirect_dma source(%dma_start3A_103 : memref<10240x128xf32, #tpu.memory_space<hbm>>) target(%arg11 : memref<128x128xf32, #tpu.memory_space<vmem>>) offsets(%dma_start3A_100 : memref<128xi32, #tpu.memory_space<vmem>>) semaphore(%arg13 : memref<!tpu.dma_semaphore, #tpu.memory_space<semaphore_mem>>)
    %dma_wait3A_104 = arith.constant 0 : i32
    %dma_wait3A_105 = arith.constant 0 : i32
    %dma_wait3A_106 = tpu.memref_slice %arg8[%dma_wait3A_104, %dma_wait3A_105] : memref<2x128xi32, #tpu.memory_space<vmem>> -> memref<1x128xi32, #tpu.memory_space<vmem>>
    %dma_wait3A_107 = tpu.memref_squeeze %dma_wait3A_106 : memref<1x128xi32, #tpu.memory_space<vmem>> -> memref<128xi32, #tpu.memory_space<vmem>>
    %dma_wait3A_108 = arith.constant 0 : i32
    %dma_wait3A_109 = arith.constant 0 : i32
    %dma_wait3A_110 = tpu.memref_slice %arg2[%dma_wait3A_108, %dma_wait3A_109] : memref<10240x128xf32, #tpu.memory_space<hbm>> -> memref<10240x128xf32, #tpu.memory_space<hbm>>
    tpu.wait_indirect_dma semaphore(%arg14 : memref<!tpu.dma_semaphore, #tpu.memory_space<semaphore_mem>>) src(%dma_wait3A_110 : memref<10240x128xf32, #tpu.memory_space<hbm>>) dst(%arg12 : memref<128x128xf32, #tpu.memory_space<vmem>>)
    %run_scoped3A_111 = arith.constant 1 : i32
    "tpu.region"() ({
      %run_scoped3A_121 = tpu.sem_alloc : memref<!tpu.dma_semaphore, #tpu.memory_space<semaphore_mem>>
      %dma_start3A_122 = arith.constant 0 : i32
      %dma_start3A_123 = tpu.memref_slice %arg8[%run_scoped3A_111, %dma_start3A_122] : memref<2x128xi32, #tpu.memory_space<vmem>> -> memref<1x128xi32, #tpu.memory_space<vmem>>
      %dma_start3A_124 = tpu.memref_squeeze %dma_start3A_123 : memref<1x128xi32, #tpu.memory_space<vmem>> -> memref<128xi32, #tpu.memory_space<vmem>>
      %dma_start3A_125 = arith.constant 0 : i32
      %dma_start3A_126 = arith.constant 0 : i32
      %dma_start3A_127 = tpu.memref_slice %arg6[%dma_start3A_125, %dma_start3A_126] : memref<10240x128xf32, #tpu.memory_space<vmem_shared>> -> memref<10240x128xf32, #tpu.memory_space<vmem_shared>>
      tpu.enqueue_indirect_dma source(%arg12 : memref<128x128xf32, #tpu.memory_space<vmem>>) target(%dma_start3A_127 : memref<10240x128xf32, #tpu.memory_space<vmem_shared>>) offsets(%dma_start3A_124 : memref<128xi32, #tpu.memory_space<vmem>>) semaphore(%run_scoped3A_121 : memref<!tpu.dma_semaphore, #tpu.memory_space<semaphore_mem>>) {add = true}
      %dma_wait3A_128 = arith.constant 0 : i32
      %dma_wait3A_129 = tpu.memref_slice %arg8[%run_scoped3A_111, %dma_wait3A_128] : memref<2x128xi32, #tpu.memory_space<vmem>> -> memref<1x128xi32, #tpu.memory_space<vmem>>
      %dma_wait3A_130 = tpu.memref_squeeze %dma_wait3A_129 : memref<1x128xi32, #tpu.memory_space<vmem>> -> memref<128xi32, #tpu.memory_space<vmem>>
      %dma_wait3A_131 = arith.constant 0 : i32
      %dma_wait3A_132 = arith.constant 0 : i32
      %dma_wait3A_133 = tpu.memref_slice %arg6[%dma_wait3A_131, %dma_wait3A_132] : memref<10240x128xf32, #tpu.memory_space<vmem_shared>> -> memref<10240x128xf32, #tpu.memory_space<vmem_shared>>
      tpu.wait_indirect_dma semaphore(%run_scoped3A_121 : memref<!tpu.dma_semaphore, #tpu.memory_space<semaphore_mem>>) src(%arg12 : memref<128x128xf32, #tpu.memory_space<vmem>>) dst(%dma_wait3A_133 : memref<10240x128xf32, #tpu.memory_space<vmem_shared>>)
      tpu.yield
    }) : () -> ()
    %dma_wait3A_112 = arith.constant 0 : i32
    %dma_wait3A_113 = arith.constant 0 : i32
    %dma_wait3A_114 = tpu.memref_slice %arg9[%dma_wait3A_112, %dma_wait3A_113] : memref<2x128xi32, #tpu.memory_space<vmem>> -> memref<1x128xi32, #tpu.memory_space<vmem>>
    %dma_wait3A_115 = tpu.memref_squeeze %dma_wait3A_114 : memref<1x128xi32, #tpu.memory_space<vmem>> -> memref<128xi32, #tpu.memory_space<vmem>>
    %dma_wait3A_116 = arith.constant 0 : i32
    %dma_wait3A_117 = arith.constant 0 : i32
    %dma_wait3A_118 = tpu.memref_slice %arg2[%dma_wait3A_116, %dma_wait3A_117] : memref<10240x128xf32, #tpu.memory_space<hbm>> -> memref<10240x128xf32, #tpu.memory_space<hbm>>
    tpu.wait_indirect_dma semaphore(%arg13 : memref<!tpu.dma_semaphore, #tpu.memory_space<semaphore_mem>>) src(%dma_wait3A_118 : memref<10240x128xf32, #tpu.memory_space<hbm>>) dst(%arg11 : memref<128x128xf32, #tpu.memory_space<vmem>>)
    %run_scoped3A_119 = arith.constant 1 : i32
    "tpu.region"() ({
      %run_scoped3A_121 = tpu.sem_alloc : memref<!tpu.dma_semaphore, #tpu.memory_space<semaphore_mem>>
      %dma_start3A_122 = arith.constant 0 : i32
      %dma_start3A_123 = tpu.memref_slice %arg9[%run_scoped3A_119, %dma_start3A_122] : memref<2x128xi32, #tpu.memory_space<vmem>> -> memref<1x128xi32, #tpu.memory_space<vmem>>
      %dma_start3A_124 = tpu.memref_squeeze %dma_start3A_123 : memref<1x128xi32, #tpu.memory_space<vmem>> -> memref<128xi32, #tpu.memory_space<vmem>>
      %dma_start3A_125 = arith.constant 0 : i32
      %dma_start3A_126 = arith.constant 0 : i32
      %dma_start3A_127 = tpu.memref_slice %arg6[%dma_start3A_125, %dma_start3A_126] : memref<10240x128xf32, #tpu.memory_space<vmem_shared>> -> memref<10240x128xf32, #tpu.memory_space<vmem_shared>>
      tpu.enqueue_indirect_dma source(%arg11 : memref<128x128xf32, #tpu.memory_space<vmem>>) target(%dma_start3A_127 : memref<10240x128xf32, #tpu.memory_space<vmem_shared>>) offsets(%dma_start3A_124 : memref<128xi32, #tpu.memory_space<vmem>>) semaphore(%run_scoped3A_121 : memref<!tpu.dma_semaphore, #tpu.memory_space<semaphore_mem>>) {add = true}
      %dma_wait3A_128 = arith.constant 0 : i32
      %dma_wait3A_129 = tpu.memref_slice %arg9[%run_scoped3A_119, %dma_wait3A_128] : memref<2x128xi32, #tpu.memory_space<vmem>> -> memref<1x128xi32, #tpu.memory_space<vmem>>
      %dma_wait3A_130 = tpu.memref_squeeze %dma_wait3A_129 : memref<1x128xi32, #tpu.memory_space<vmem>> -> memref<128xi32, #tpu.memory_space<vmem>>
      %dma_wait3A_131 = arith.constant 0 : i32
      %dma_wait3A_132 = arith.constant 0 : i32
      %dma_wait3A_133 = tpu.memref_slice %arg6[%dma_wait3A_131, %dma_wait3A_132] : memref<10240x128xf32, #tpu.memory_space<vmem_shared>> -> memref<10240x128xf32, #tpu.memory_space<vmem_shared>>
      tpu.wait_indirect_dma semaphore(%run_scoped3A_121 : memref<!tpu.dma_semaphore, #tpu.memory_space<semaphore_mem>>) src(%arg11 : memref<128x128xf32, #tpu.memory_space<vmem>>) dst(%dma_wait3A_133 : memref<10240x128xf32, #tpu.memory_space<vmem_shared>>)
      tpu.yield
    }) : () -> ()
    %barrier3A_120 = arith.constant 0 : index
    tpu.barrier barrier_id(%barrier3A_120)
    "tpu.region"() ({
      %run_scoped3A_121 = tpu.sem_alloc : memref<!tpu.dma_semaphore, #tpu.memory_space<semaphore_mem>>
      %dma_start3A_122 = arith.constant 0 : i32
      %dma_start3A_123 = tpu.memref_slice %arg5[%arg0, %mul3A_2, %dma_start3A_122] : memref<2x10240x128xf32, #tpu.memory_space<hbm>> -> memref<1x640x128xf32, #tpu.memory_space<hbm>>
      %dma_start3A_124 = tpu.memref_squeeze %dma_start3A_123 : memref<1x640x128xf32, #tpu.memory_space<hbm>> -> memref<640x128xf32, #tpu.memory_space<hbm>>
      %dma_start3A_125 = arith.constant 0 : i32
      %dma_start3A_126 = tpu.memref_slice %arg6[%mul3A_2, %dma_start3A_125] : memref<10240x128xf32, #tpu.memory_space<vmem_shared>> -> memref<640x128xf32, #tpu.memory_space<vmem_shared>>
      tpu.enqueue_dma source(%dma_start3A_126 : memref<640x128xf32, #tpu.memory_space<vmem_shared>>) target(%dma_start3A_124 : memref<640x128xf32, #tpu.memory_space<hbm>>) target_semaphore(%run_scoped3A_121 : memref<!tpu.dma_semaphore, #tpu.memory_space<semaphore_mem>>)
      %dma_wait3A_127 = arith.constant 0 : i32
      %dma_wait3A_128 = tpu.memref_slice %arg5[%arg0, %mul3A_2, %dma_wait3A_127] : memref<2x10240x128xf32, #tpu.memory_space<hbm>> -> memref<1x640x128xf32, #tpu.memory_space<hbm>>
      %dma_wait3A_129 = tpu.memref_squeeze %dma_wait3A_128 : memref<1x640x128xf32, #tpu.memory_space<hbm>> -> memref<640x128xf32, #tpu.memory_space<hbm>>
      %dma_wait3A_130 = arith.constant 0 : i32
      %dma_wait3A_131 = tpu.memref_slice %arg6[%mul3A_2, %dma_wait3A_130] : memref<10240x128xf32, #tpu.memory_space<vmem_shared>> -> memref<640x128xf32, #tpu.memory_space<vmem_shared>>
      tpu.wait_dma2 semaphore(%run_scoped3A_121 : memref<!tpu.dma_semaphore, #tpu.memory_space<semaphore_mem>>) src(%dma_wait3A_131 : memref<640x128xf32, #tpu.memory_space<vmem_shared>>) dst(%dma_wait3A_129 : memref<640x128xf32, #tpu.memory_space<hbm>>)
      tpu.yield
    }) : () -> ()
    return
  }
}

#map = affine_map<(d0, d1) -> (0, 0)>
#map1 = affine_map<(d0, d1) -> (0, 0, 0)>
module attributes {stable_mosaic.version = 14 : i64} {
  func.func @_scatter_sc(%arg0: i32, %arg1: i32, %arg2: memref<10240x128xf32, #tpu.memory_space<hbm>>, %arg3: memref<2528x2x128xi32, #tpu.memory_space<hbm>>, %arg4: memref<10240x128xf32, #tpu.memory_space<hbm>>, %arg5: memref<2x10240x128xf32, #tpu.memory_space<hbm>>, %arg6: memref<10240x128xf32, #tpu.memory_space<vmem_shared>>, %arg7: memref<2x128xi32, #tpu.memory_space<vmem>>, %arg8: memref<2x128xi32, #tpu.memory_space<vmem>>, %arg9: memref<2x128xi32, #tpu.memory_space<vmem>>, %arg10: memref<2x128xi32, #tpu.memory_space<vmem>>, %arg11: memref<128x128xf32, #tpu.memory_space<vmem>>, %arg12: memref<128x128xf32, #tpu.memory_space<vmem>>, %arg13: memref<!tpu.dma_semaphore, #tpu.memory_space<semaphore_mem>>, %arg14: memref<!tpu.dma_semaphore, #tpu.memory_space<semaphore_mem>>, %arg15: memref<!tpu.dma_semaphore, #tpu.memory_space<semaphore_mem>>, %arg16: memref<!tpu.dma_semaphore, #tpu.memory_space<semaphore_mem>>, %arg17: memref<!tpu.dma_semaphore, #tpu.memory_space<semaphore_mem>>, %arg18: memref<!tpu.dma_semaphore, #tpu.memory_space<semaphore_mem>>, %arg19: memref<!tpu.dma_semaphore, #tpu.memory_space<semaphore_mem>>) attributes {dimension_semantics = [#tpu.dimension_semantics<core_parallel>, #tpu.dimension_semantics<subcore_parallel>], iteration_bounds = array<i64: 2, 16>, scalar_prefetch = 0 : i64, scratch_operands = 14 : i64, tpu.core_type = #tpu.core_type<sc_vector_subcore>, window_params = [{transform_indices = #map}, {transform_indices = #map1}, {transform_indices = #map}, {transform_indices = #map1}]} {
    %mul3A = arith.constant 2 : i32
    %mul3A_0 = arith.muli %arg1, %mul3A : i32
    %add3A = arith.addi %mul3A_0, %arg0 : i32
    %mul3A_1 = arith.constant 640 : i32
    %mul3A_2 = arith.muli %arg1, %mul3A_1 : i32
    %mul3A_3 = arith.constant 79 : i32
    %mul3A_4 = arith.muli %add3A, %mul3A_3 : i32
    %dma_start3A = arith.constant 0 : i32
    %dma_start3A_5 = tpu.memref_slice %arg6[%mul3A_2, %dma_start3A] : memref<10240x128xf32, #tpu.memory_space<vmem_shared>> -> memref<640x128xf32, #tpu.memory_space<vmem_shared>>
    %dma_start3A_6 = arith.constant 0 : i32
    %dma_start3A_7 = tpu.memref_slice %arg4[%mul3A_2, %dma_start3A_6] : memref<10240x128xf32, #tpu.memory_space<hbm>> -> memref<640x128xf32, #tpu.memory_space<hbm>>
    tpu.enqueue_dma source(%dma_start3A_7 : memref<640x128xf32, #tpu.memory_space<hbm>>) target(%dma_start3A_5 : memref<640x128xf32, #tpu.memory_space<vmem_shared>>) target_semaphore(%arg19 : memref<!tpu.dma_semaphore, #tpu.memory_space<semaphore_mem>>)
    %add3A_8 = arith.constant 0 : i32
    %add3A_9 = arith.addi %mul3A_4, %add3A_8 : i32
    %dma_start3A_10 = arith.constant 0 : i32
    %dma_start3A_11 = arith.constant 0 : i32
    %dma_start3A_12 = tpu.memref_slice %arg3[%add3A_9, %dma_start3A_10, %dma_start3A_11] : memref<2528x2x128xi32, #tpu.memory_space<hbm>> -> memref<1x2x128xi32, #tpu.memory_space<hbm>>
    %dma_start3A_13 = tpu.memref_squeeze %dma_start3A_12 : memref<1x2x128xi32, #tpu.memory_space<hbm>> -> memref<2x128xi32, #tpu.memory_space<hbm>>
    %dma_start3A_14 = arith.constant 0 : i32
    %dma_start3A_15 = arith.constant 0 : i32
    %dma_start3A_16 = tpu.memref_slice %arg3[%add3A_9, %dma_start3A_14, %dma_start3A_15] : memref<2528x2x128xi32, #tpu.memory_space<hbm>> -> memref<1x2x128xi32, #tpu.memory_space<hbm>>
    %dma_start3A_17 = tpu.memref_squeeze %dma_start3A_16 : memref<1x2x128xi32, #tpu.memory_space<hbm>> -> memref<2x128xi32, #tpu.memory_space<hbm>>
    tpu.enqueue_dma source(%dma_start3A_17 : memref<2x128xi32, #tpu.memory_space<hbm>>) target(%arg7 : memref<2x128xi32, #tpu.memory_space<vmem>>) target_semaphore(%arg15 : memref<!tpu.dma_semaphore, #tpu.memory_space<semaphore_mem>>)
    %add3A_18 = arith.constant 1 : i32
    %add3A_19 = arith.addi %mul3A_4, %add3A_18 : i32
    %dma_start3A_20 = arith.constant 0 : i32
    %dma_start3A_21 = arith.constant 0 : i32
    %dma_start3A_22 = tpu.memref_slice %arg3[%add3A_19, %dma_start3A_20, %dma_start3A_21] : memref<2528x2x128xi32, #tpu.memory_space<hbm>> -> memref<1x2x128xi32, #tpu.memory_space<hbm>>
    %dma_start3A_23 = tpu.memref_squeeze %dma_start3A_22 : memref<1x2x128xi32, #tpu.memory_space<hbm>> -> memref<2x128xi32, #tpu.memory_space<hbm>>
    %dma_start3A_24 = arith.constant 0 : i32
    %dma_start3A_25 = arith.constant 0 : i32
    %dma_start3A_26 = tpu.memref_slice %arg3[%add3A_19, %dma_start3A_24, %dma_start3A_25] : memref<2528x2x128xi32, #tpu.memory_space<hbm>> -> memref<1x2x128xi32, #tpu.memory_space<hbm>>
    %dma_start3A_27 = tpu.memref_squeeze %dma_start3A_26 : memref<1x2x128xi32, #tpu.memory_space<hbm>> -> memref<2x128xi32, #tpu.memory_space<hbm>>
    tpu.enqueue_dma source(%dma_start3A_27 : memref<2x128xi32, #tpu.memory_space<hbm>>) target(%arg8 : memref<2x128xi32, #tpu.memory_space<vmem>>) target_semaphore(%arg16 : memref<!tpu.dma_semaphore, #tpu.memory_space<semaphore_mem>>)
    %add3A_28 = arith.constant 2 : i32
    %add3A_29 = arith.addi %mul3A_4, %add3A_28 : i32
    %dma_start3A_30 = arith.constant 0 : i32
    %dma_start3A_31 = arith.constant 0 : i32
    %dma_start3A_32 = tpu.memref_slice %arg3[%add3A_29, %dma_start3A_30, %dma_start3A_31] : memref<2528x2x128xi32, #tpu.memory_space<hbm>> -> memref<1x2x128xi32, #tpu.memory_space<hbm>>
    %dma_start3A_33 = tpu.memref_squeeze %dma_start3A_32 : memref<1x2x128xi32, #tpu.memory_space<hbm>> -> memref<2x128xi32, #tpu.memory_space<hbm>>
    %dma_start3A_34 = arith.constant 0 : i32
    %dma_start3A_35 = arith.constant 0 : i32
    %dma_start3A_36 = tpu.memref_slice %arg3[%add3A_29, %dma_start3A_34, %dma_start3A_35] : memref<2528x2x128xi32, #tpu.memory_space<hbm>> -> memref<1x2x128xi32, #tpu.memory_space<hbm>>
    %dma_start3A_37 = tpu.memref_squeeze %dma_start3A_36 : memref<1x2x128xi32, #tpu.memory_space<hbm>> -> memref<2x128xi32, #tpu.memory_space<hbm>>
    tpu.enqueue_dma source(%dma_start3A_37 : memref<2x128xi32, #tpu.memory_space<hbm>>) target(%arg9 : memref<2x128xi32, #tpu.memory_space<vmem>>) target_semaphore(%arg17 : memref<!tpu.dma_semaphore, #tpu.memory_space<semaphore_mem>>)
    %add3A_38 = arith.constant 0 : i32
    %add3A_39 = arith.addi %mul3A_4, %add3A_38 : i32
    %dma_wait3A = arith.constant 0 : i32
    %dma_wait3A_40 = arith.constant 0 : i32
    %dma_wait3A_41 = tpu.memref_slice %arg3[%add3A_39, %dma_wait3A, %dma_wait3A_40] : memref<2528x2x128xi32, #tpu.memory_space<hbm>> -> memref<1x2x128xi32, #tpu.memory_space<hbm>>
    %dma_wait3A_42 = tpu.memref_squeeze %dma_wait3A_41 : memref<1x2x128xi32, #tpu.memory_space<hbm>> -> memref<2x128xi32, #tpu.memory_space<hbm>>
    %dma_wait3A_43 = arith.constant 0 : i32
    %dma_wait3A_44 = arith.constant 0 : i32
    %dma_wait3A_45 = tpu.memref_slice %arg3[%add3A_39, %dma_wait3A_43, %dma_wait3A_44] : memref<2528x2x128xi32, #tpu.memory_space<hbm>> -> memref<1x2x128xi32, #tpu.memory_space<hbm>>
    %dma_wait3A_46 = tpu.memref_squeeze %dma_wait3A_45 : memref<1x2x128xi32, #tpu.memory_space<hbm>> -> memref<2x128xi32, #tpu.memory_space<hbm>>
    tpu.wait_dma2 semaphore(%arg15 : memref<!tpu.dma_semaphore, #tpu.memory_space<semaphore_mem>>) src(%dma_wait3A_46 : memref<2x128xi32, #tpu.memory_space<hbm>>) dst(%arg7 : memref<2x128xi32, #tpu.memory_space<vmem>>)
    %dma_start3A_47 = arith.constant 0 : i32
    %dma_start3A_48 = arith.constant 0 : i32
    %dma_start3A_49 = tpu.memref_slice %arg7[%dma_start3A_47, %dma_start3A_48] : memref<2x128xi32, #tpu.memory_space<vmem>> -> memref<1x128xi32, #tpu.memory_space<vmem>>
    %dma_start3A_50 = tpu.memref_squeeze %dma_start3A_49 : memref<1x128xi32, #tpu.memory_space<vmem>> -> memref<128xi32, #tpu.memory_space<vmem>>
    %dma_start3A_51 = arith.constant 0 : i32
    %dma_start3A_52 = arith.constant 0 : i32
    %dma_start3A_53 = tpu.memref_slice %arg2[%dma_start3A_51, %dma_start3A_52] : memref<10240x128xf32, #tpu.memory_space<hbm>> -> memref<10240x128xf32, #tpu.memory_space<hbm>>
    tpu.enqueue_indirect_dma source(%dma_start3A_53 : memref<10240x128xf32, #tpu.memory_space<hbm>>) target(%arg11 : memref<128x128xf32, #tpu.memory_space<vmem>>) offsets(%dma_start3A_50 : memref<128xi32, #tpu.memory_space<vmem>>) semaphore(%arg13 : memref<!tpu.dma_semaphore, #tpu.memory_space<semaphore_mem>>)
    %dma_wait3A_54 = arith.constant 0 : i32
    %dma_wait3A_55 = tpu.memref_slice %arg6[%mul3A_2, %dma_wait3A_54] : memref<10240x128xf32, #tpu.memory_space<vmem_shared>> -> memref<640x128xf32, #tpu.memory_space<vmem_shared>>
    %dma_wait3A_56 = arith.constant 0 : i32
    %dma_wait3A_57 = tpu.memref_slice %arg4[%mul3A_2, %dma_wait3A_56] : memref<10240x128xf32, #tpu.memory_space<hbm>> -> memref<640x128xf32, #tpu.memory_space<hbm>>
    tpu.wait_dma2 semaphore(%arg19 : memref<!tpu.dma_semaphore, #tpu.memory_space<semaphore_mem>>) src(%dma_wait3A_57 : memref<640x128xf32, #tpu.memory_space<hbm>>) dst(%dma_wait3A_55 : memref<640x128xf32, #tpu.memory_space<vmem_shared>>)
    %barrier3A = arith.constant 0 : index
    tpu.barrier barrier_id(%barrier3A)
    %scan3A = arith.constant 0 : i32
    %scan3A_58 = arith.constant 0 : i32
    %scan3A_59 = arith.constant 19 : i32
    %scan3A_60 = arith.addi %scan3A_58, %scan3A_59 : i32
    %scan3A_61 = arith.constant 1 : i32
    scf.for %scan3A_121 = %scan3A_58 to %scan3A_60 step %scan3A_61  : i32 {
      %mul3A_122 = arith.constant 4 : i32
      %mul3A_123 = arith.muli %mul3A_122, %scan3A_121 : i32
      %add3A_124 = arith.constant 0 : i32
      %add3A_125 = arith.addi %mul3A_123, %add3A_124 : i32
      %add3A_126 = arith.constant 1 : i32
      %add3A_127 = arith.addi %add3A_125, %add3A_126 : i32
      %add3A_128 = arith.addi %mul3A_4, %add3A_127 : i32
      %dma_wait3A_129 = arith.constant 0 : i32
      %dma_wait3A_130 = arith.constant 0 : i32
      %dma_wait3A_131 = tpu.memref_slice %arg3[%add3A_128, %dma_wait3A_129, %dma_wait3A_130] : memref<2528x2x128xi32, #tpu.memory_space<hbm>> -> memref<1x2x128xi32, #tpu.memory_space<hbm>>
      %dma_wait3A_132 = tpu.memref_squeeze %dma_wait3A_131 : memref<1x2x128xi32, #tpu.memory_space<hbm>> -> memref<2x128xi32, #tpu.memory_space<hbm>>
      %dma_wait3A_133 = arith.constant 0 : i32
      %dma_wait3A_134 = arith.constant 0 : i32
      %dma_wait3A_135 = tpu.memref_slice %arg3[%add3A_128, %dma_wait3A_133, %dma_wait3A_134] : memref<2528x2x128xi32, #tpu.memory_space<hbm>> -> memref<1x2x128xi32, #tpu.memory_space<hbm>>
      %dma_wait3A_136 = tpu.memref_squeeze %dma_wait3A_135 : memref<1x2x128xi32, #tpu.memory_space<hbm>> -> memref<2x128xi32, #tpu.memory_space<hbm>>
      tpu.wait_dma2 semaphore(%arg16 : memref<!tpu.dma_semaphore, #tpu.memory_space<semaphore_mem>>) src(%dma_wait3A_136 : memref<2x128xi32, #tpu.memory_space<hbm>>) dst(%arg8 : memref<2x128xi32, #tpu.memory_space<vmem>>)
      %dma_start3A_137 = arith.constant 0 : i32
      %dma_start3A_138 = arith.constant 0 : i32
      %dma_start3A_139 = tpu.memref_slice %arg8[%dma_start3A_137, %dma_start3A_138] : memref<2x128xi32, #tpu.memory_space<vmem>> -> memref<1x128xi32, #tpu.memory_space<vmem>>
      %dma_start3A_140 = tpu.memref_squeeze %dma_start3A_139 : memref<1x128xi32, #tpu.memory_space<vmem>> -> memref<128xi32, #tpu.memory_space<vmem>>
      %dma_start3A_141 = arith.constant 0 : i32
      %dma_start3A_142 = arith.constant 0 : i32
      %dma_start3A_143 = tpu.memref_slice %arg2[%dma_start3A_141, %dma_start3A_142] : memref<10240x128xf32, #tpu.memory_space<hbm>> -> memref<10240x128xf32, #tpu.memory_space<hbm>>
      tpu.enqueue_indirect_dma source(%dma_start3A_143 : memref<10240x128xf32, #tpu.memory_space<hbm>>) target(%arg12 : memref<128x128xf32, #tpu.memory_space<vmem>>) offsets(%dma_start3A_140 : memref<128xi32, #tpu.memory_space<vmem>>) semaphore(%arg14 : memref<!tpu.dma_semaphore, #tpu.memory_space<semaphore_mem>>)
      %dma_wait3A_144 = arith.constant 0 : i32
      %dma_wait3A_145 = arith.constant 0 : i32
      %dma_wait3A_146 = tpu.memref_slice %arg7[%dma_wait3A_144, %dma_wait3A_145] : memref<2x128xi32, #tpu.memory_space<vmem>> -> memref<1x128xi32, #tpu.memory_space<vmem>>
      %dma_wait3A_147 = tpu.memref_squeeze %dma_wait3A_146 : memref<1x128xi32, #tpu.memory_space<vmem>> -> memref<128xi32, #tpu.memory_space<vmem>>
      %dma_wait3A_148 = arith.constant 0 : i32
      %dma_wait3A_149 = arith.constant 0 : i32
      %dma_wait3A_150 = tpu.memref_slice %arg2[%dma_wait3A_148, %dma_wait3A_149] : memref<10240x128xf32, #tpu.memory_space<hbm>> -> memref<10240x128xf32, #tpu.memory_space<hbm>>
      tpu.wait_indirect_dma semaphore(%arg13 : memref<!tpu.dma_semaphore, #tpu.memory_space<semaphore_mem>>) src(%dma_wait3A_150 : memref<10240x128xf32, #tpu.memory_space<hbm>>) dst(%arg11 : memref<128x128xf32, #tpu.memory_space<vmem>>)
      %run_scoped3A_151 = arith.constant 1 : i32
      "tpu.region"() ({
        %run_scoped3A_280 = tpu.sem_alloc : memref<!tpu.dma_semaphore, #tpu.memory_space<semaphore_mem>>
        %dma_start3A_281 = arith.constant 0 : i32
        %dma_start3A_282 = tpu.memref_slice %arg7[%run_scoped3A_151, %dma_start3A_281] : memref<2x128xi32, #tpu.memory_space<vmem>> -> memref<1x128xi32, #tpu.memory_space<vmem>>
        %dma_start3A_283 = tpu.memref_squeeze %dma_start3A_282 : memref<1x128xi32, #tpu.memory_space<vmem>> -> memref<128xi32, #tpu.memory_space<vmem>>
        %dma_start3A_284 = arith.constant 0 : i32
        %dma_start3A_285 = arith.constant 0 : i32
        %dma_start3A_286 = tpu.memref_slice %arg6[%dma_start3A_284, %dma_start3A_285] : memref<10240x128xf32, #tpu.memory_space<vmem_shared>> -> memref<10240x128xf32, #tpu.memory_space<vmem_shared>>
        tpu.enqueue_indirect_dma source(%arg11 : memref<128x128xf32, #tpu.memory_space<vmem>>) target(%dma_start3A_286 : memref<10240x128xf32, #tpu.memory_space<vmem_shared>>) offsets(%dma_start3A_283 : memref<128xi32, #tpu.memory_space<vmem>>) semaphore(%run_scoped3A_280 : memref<!tpu.dma_semaphore, #tpu.memory_space<semaphore_mem>>) {add = true}
        %dma_wait3A_287 = arith.constant 0 : i32
        %dma_wait3A_288 = tpu.memref_slice %arg7[%run_scoped3A_151, %dma_wait3A_287] : memref<2x128xi32, #tpu.memory_space<vmem>> -> memref<1x128xi32, #tpu.memory_space<vmem>>
        %dma_wait3A_289 = tpu.memref_squeeze %dma_wait3A_288 : memref<1x128xi32, #tpu.memory_space<vmem>> -> memref<128xi32, #tpu.memory_space<vmem>>
        %dma_wait3A_290 = arith.constant 0 : i32
        %dma_wait3A_291 = arith.constant 0 : i32
        %dma_wait3A_292 = tpu.memref_slice %arg6[%dma_wait3A_290, %dma_wait3A_291] : memref<10240x128xf32, #tpu.memory_space<vmem_shared>> -> memref<10240x128xf32, #tpu.memory_space<vmem_shared>>
        tpu.wait_indirect_dma semaphore(%run_scoped3A_280 : memref<!tpu.dma_semaphore, #tpu.memory_space<semaphore_mem>>) src(%arg11 : memref<128x128xf32, #tpu.memory_space<vmem>>) dst(%dma_wait3A_292 : memref<10240x128xf32, #tpu.memory_space<vmem_shared>>)
        tpu.yield
      }) : () -> ()
      %add3A_152 = arith.constant 3 : i32
      %add3A_153 = arith.addi %add3A_125, %add3A_152 : i32
      %add3A_154 = arith.addi %mul3A_4, %add3A_153 : i32
      %dma_start3A_155 = arith.constant 0 : i32
      %dma_start3A_156 = arith.constant 0 : i32
      %dma_start3A_157 = tpu.memref_slice %arg3[%add3A_154, %dma_start3A_155, %dma_start3A_156] : memref<2528x2x128xi32, #tpu.memory_space<hbm>> -> memref<1x2x128xi32, #tpu.memory_space<hbm>>
      %dma_start3A_158 = tpu.memref_squeeze %dma_start3A_157 : memref<1x2x128xi32, #tpu.memory_space<hbm>> -> memref<2x128xi32, #tpu.memory_space<hbm>>
      %dma_start3A_159 = arith.constant 0 : i32
      %dma_start3A_160 = arith.constant 0 : i32
      %dma_start3A_161 = tpu.memref_slice %arg3[%add3A_154, %dma_start3A_159, %dma_start3A_160] : memref<2528x2x128xi32, #tpu.memory_space<hbm>> -> memref<1x2x128xi32, #tpu.memory_space<hbm>>
      %dma_start3A_162 = tpu.memref_squeeze %dma_start3A_161 : memref<1x2x128xi32, #tpu.memory_space<hbm>> -> memref<2x128xi32, #tpu.memory_space<hbm>>
      tpu.enqueue_dma source(%dma_start3A_162 : memref<2x128xi32, #tpu.memory_space<hbm>>) target(%arg10 : memref<2x128xi32, #tpu.memory_space<vmem>>) target_semaphore(%arg18 : memref<!tpu.dma_semaphore, #tpu.memory_space<semaphore_mem>>)
      %add3A_163 = arith.constant 1 : i32
      %add3A_164 = arith.addi %mul3A_123, %add3A_163 : i32
      %add3A_165 = arith.constant 1 : i32
      %add3A_166 = arith.addi %add3A_164, %add3A_165 : i32
      %add3A_167 = arith.addi %mul3A_4, %add3A_166 : i32
      %dma_wait3A_168 = arith.constant 0 : i32
      %dma_wait3A_169 = arith.constant 0 : i32
      %dma_wait3A_170 = tpu.memref_slice %arg3[%add3A_167, %dma_wait3A_168, %dma_wait3A_169] : memref<2528x2x128xi32, #tpu.memory_space<hbm>> -> memref<1x2x128xi32, #tpu.memory_space<hbm>>
      %dma_wait3A_171 = tpu.memref_squeeze %dma_wait3A_170 : memref<1x2x128xi32, #tpu.memory_space<hbm>> -> memref<2x128xi32, #tpu.memory_space<hbm>>
      %dma_wait3A_172 = arith.constant 0 : i32
      %dma_wait3A_173 = arith.constant 0 : i32
      %dma_wait3A_174 = tpu.memref_slice %arg3[%add3A_167, %dma_wait3A_172, %dma_wait3A_173] : memref<2528x2x128xi32, #tpu.memory_space<hbm>> -> memref<1x2x128xi32, #tpu.memory_space<hbm>>
      %dma_wait3A_175 = tpu.memref_squeeze %dma_wait3A_174 : memref<1x2x128xi32, #tpu.memory_space<hbm>> -> memref<2x128xi32, #tpu.memory_space<hbm>>
      tpu.wait_dma2 semaphore(%arg17 : memref<!tpu.dma_semaphore, #tpu.memory_space<semaphore_mem>>) src(%dma_wait3A_175 : memref<2x128xi32, #tpu.memory_space<hbm>>) dst(%arg9 : memref<2x128xi32, #tpu.memory_space<vmem>>)
      %dma_start3A_176 = arith.constant 0 : i32
      %dma_start3A_177 = arith.constant 0 : i32
      %dma_start3A_178 = tpu.memref_slice %arg9[%dma_start3A_176, %dma_start3A_177] : memref<2x128xi32, #tpu.memory_space<vmem>> -> memref<1x128xi32, #tpu.memory_space<vmem>>
      %dma_start3A_179 = tpu.memref_squeeze %dma_start3A_178 : memref<1x128xi32, #tpu.memory_space<vmem>> -> memref<128xi32, #tpu.memory_space<vmem>>
      %dma_start3A_180 = arith.constant 0 : i32
      %dma_start3A_181 = arith.constant 0 : i32
      %dma_start3A_182 = tpu.memref_slice %arg2[%dma_start3A_180, %dma_start3A_181] : memref<10240x128xf32, #tpu.memory_space<hbm>> -> memref<10240x128xf32, #tpu.memory_space<hbm>>
      tpu.enqueue_indirect_dma source(%dma_start3A_182 : memref<10240x128xf32, #tpu.memory_space<hbm>>) target(%arg11 : memref<128x128xf32, #tpu.memory_space<vmem>>) offsets(%dma_start3A_179 : memref<128xi32, #tpu.memory_space<vmem>>) semaphore(%arg13 : memref<!tpu.dma_semaphore, #tpu.memory_space<semaphore_mem>>)
      %dma_wait3A_183 = arith.constant 0 : i32
      %dma_wait3A_184 = arith.constant 0 : i32
      %dma_wait3A_185 = tpu.memref_slice %arg8[%dma_wait3A_183, %dma_wait3A_184] : memref<2x128xi32, #tpu.memory_space<vmem>> -> memref<1x128xi32, #tpu.memory_space<vmem>>
      %dma_wait3A_186 = tpu.memref_squeeze %dma_wait3A_185 : memref<1x128xi32, #tpu.memory_space<vmem>> -> memref<128xi32, #tpu.memory_space<vmem>>
      %dma_wait3A_187 = arith.constant 0 : i32
      %dma_wait3A_188 = arith.constant 0 : i32
      %dma_wait3A_189 = tpu.memref_slice %arg2[%dma_wait3A_187, %dma_wait3A_188] : memref<10240x128xf32, #tpu.memory_space<hbm>> -> memref<10240x128xf32, #tpu.memory_space<hbm>>
      tpu.wait_indirect_dma semaphore(%arg14 : memref<!tpu.dma_semaphore, #tpu.memory_space<semaphore_mem>>) src(%dma_wait3A_189 : memref<10240x128xf32, #tpu.memory_space<hbm>>) dst(%arg12 : memref<128x128xf32, #tpu.memory_space<vmem>>)
      %run_scoped3A_190 = arith.constant 1 : i32
      "tpu.region"() ({
        %run_scoped3A_280 = tpu.sem_alloc : memref<!tpu.dma_semaphore, #tpu.memory_space<semaphore_mem>>
        %dma_start3A_281 = arith.constant 0 : i32
        %dma_start3A_282 = tpu.memref_slice %arg8[%run_scoped3A_190, %dma_start3A_281] : memref<2x128xi32, #tpu.memory_space<vmem>> -> memref<1x128xi32, #tpu.memory_space<vmem>>
        %dma_start3A_283 = tpu.memref_squeeze %dma_start3A_282 : memref<1x128xi32, #tpu.memory_space<vmem>> -> memref<128xi32, #tpu.memory_space<vmem>>
        %dma_start3A_284 = arith.constant 0 : i32
        %dma_start3A_285 = arith.constant 0 : i32
        %dma_start3A_286 = tpu.memref_slice %arg6[%dma_start3A_284, %dma_start3A_285] : memref<10240x128xf32, #tpu.memory_space<vmem_shared>> -> memref<10240x128xf32, #tpu.memory_space<vmem_shared>>
        tpu.enqueue_indirect_dma source(%arg12 : memref<128x128xf32, #tpu.memory_space<vmem>>) target(%dma_start3A_286 : memref<10240x128xf32, #tpu.memory_space<vmem_shared>>) offsets(%dma_start3A_283 : memref<128xi32, #tpu.memory_space<vmem>>) semaphore(%run_scoped3A_280 : memref<!tpu.dma_semaphore, #tpu.memory_space<semaphore_mem>>) {add = true}
        %dma_wait3A_287 = arith.constant 0 : i32
        %dma_wait3A_288 = tpu.memref_slice %arg8[%run_scoped3A_190, %dma_wait3A_287] : memref<2x128xi32, #tpu.memory_space<vmem>> -> memref<1x128xi32, #tpu.memory_space<vmem>>
        %dma_wait3A_289 = tpu.memref_squeeze %dma_wait3A_288 : memref<1x128xi32, #tpu.memory_space<vmem>> -> memref<128xi32, #tpu.memory_space<vmem>>
        %dma_wait3A_290 = arith.constant 0 : i32
        %dma_wait3A_291 = arith.constant 0 : i32
        %dma_wait3A_292 = tpu.memref_slice %arg6[%dma_wait3A_290, %dma_wait3A_291] : memref<10240x128xf32, #tpu.memory_space<vmem_shared>> -> memref<10240x128xf32, #tpu.memory_space<vmem_shared>>
        tpu.wait_indirect_dma semaphore(%run_scoped3A_280 : memref<!tpu.dma_semaphore, #tpu.memory_space<semaphore_mem>>) src(%arg12 : memref<128x128xf32, #tpu.memory_space<vmem>>) dst(%dma_wait3A_292 : memref<10240x128xf32, #tpu.memory_space<vmem_shared>>)
        tpu.yield
      }) : () -> ()
      %add3A_191 = arith.constant 3 : i32
      %add3A_192 = arith.addi %add3A_164, %add3A_191 : i32
      %add3A_193 = arith.addi %mul3A_4, %add3A_192 : i32
      %dma_start3A_194 = arith.constant 0 : i32
      %dma_start3A_195 = arith.constant 0 : i32
      %dma_start3A_196 = tpu.memref_slice %arg3[%add3A_193, %dma_start3A_194, %dma_start3A_195] : memref<2528x2x128xi32, #tpu.memory_space<hbm>> -> memref<1x2x128xi32, #tpu.memory_space<hbm>>
      %dma_start3A_197 = tpu.memref_squeeze %dma_start3A_196 : memref<1x2x128xi32, #tpu.memory_space<hbm>> -> memref<2x128xi32, #tpu.memory_space<hbm>>
      %dma_start3A_198 = arith.constant 0 : i32
      %dma_start3A_199 = arith.constant 0 : i32
      %dma_start3A_200 = tpu.memref_slice %arg3[%add3A_193, %dma_start3A_198, %dma_start3A_199] : memref<2528x2x128xi32, #tpu.memory_space<hbm>> -> memref<1x2x128xi32, #tpu.memory_space<hbm>>
      %dma_start3A_201 = tpu.memref_squeeze %dma_start3A_200 : memref<1x2x128xi32, #tpu.memory_space<hbm>> -> memref<2x128xi32, #tpu.memory_space<hbm>>
      tpu.enqueue_dma source(%dma_start3A_201 : memref<2x128xi32, #tpu.memory_space<hbm>>) target(%arg7 : memref<2x128xi32, #tpu.memory_space<vmem>>) target_semaphore(%arg15 : memref<!tpu.dma_semaphore, #tpu.memory_space<semaphore_mem>>)
      %add3A_202 = arith.constant 2 : i32
      %add3A_203 = arith.addi %mul3A_123, %add3A_202 : i32
      %add3A_204 = arith.constant 1 : i32
      %add3A_205 = arith.addi %add3A_203, %add3A_204 : i32
      %add3A_206 = arith.addi %mul3A_4, %add3A_205 : i32
      %dma_wait3A_207 = arith.constant 0 : i32
      %dma_wait3A_208 = arith.constant 0 : i32
      %dma_wait3A_209 = tpu.memref_slice %arg3[%add3A_206, %dma_wait3A_207, %dma_wait3A_208] : memref<2528x2x128xi32, #tpu.memory_space<hbm>> -> memref<1x2x128xi32, #tpu.memory_space<hbm>>
      %dma_wait3A_210 = tpu.memref_squeeze %dma_wait3A_209 : memref<1x2x128xi32, #tpu.memory_space<hbm>> -> memref<2x128xi32, #tpu.memory_space<hbm>>
      %dma_wait3A_211 = arith.constant 0 : i32
      %dma_wait3A_212 = arith.constant 0 : i32
      %dma_wait3A_213 = tpu.memref_slice %arg3[%add3A_206, %dma_wait3A_211, %dma_wait3A_212] : memref<2528x2x128xi32, #tpu.memory_space<hbm>> -> memref<1x2x128xi32, #tpu.memory_space<hbm>>
      %dma_wait3A_214 = tpu.memref_squeeze %dma_wait3A_213 : memref<1x2x128xi32, #tpu.memory_space<hbm>> -> memref<2x128xi32, #tpu.memory_space<hbm>>
      tpu.wait_dma2 semaphore(%arg18 : memref<!tpu.dma_semaphore, #tpu.memory_space<semaphore_mem>>) src(%dma_wait3A_214 : memref<2x128xi32, #tpu.memory_space<hbm>>) dst(%arg10 : memref<2x128xi32, #tpu.memory_space<vmem>>)
      %dma_start3A_215 = arith.constant 0 : i32
      %dma_start3A_216 = arith.constant 0 : i32
      %dma_start3A_217 = tpu.memref_slice %arg10[%dma_start3A_215, %dma_start3A_216] : memref<2x128xi32, #tpu.memory_space<vmem>> -> memref<1x128xi32, #tpu.memory_space<vmem>>
      %dma_start3A_218 = tpu.memref_squeeze %dma_start3A_217 : memref<1x128xi32, #tpu.memory_space<vmem>> -> memref<128xi32, #tpu.memory_space<vmem>>
      %dma_start3A_219 = arith.constant 0 : i32
      %dma_start3A_220 = arith.constant 0 : i32
      %dma_start3A_221 = tpu.memref_slice %arg2[%dma_start3A_219, %dma_start3A_220] : memref<10240x128xf32, #tpu.memory_space<hbm>> -> memref<10240x128xf32, #tpu.memory_space<hbm>>
      tpu.enqueue_indirect_dma source(%dma_start3A_221 : memref<10240x128xf32, #tpu.memory_space<hbm>>) target(%arg12 : memref<128x128xf32, #tpu.memory_space<vmem>>) offsets(%dma_start3A_218 : memref<128xi32, #tpu.memory_space<vmem>>) semaphore(%arg14 : memref<!tpu.dma_semaphore, #tpu.memory_space<semaphore_mem>>)
      %dma_wait3A_222 = arith.constant 0 : i32
      %dma_wait3A_223 = arith.constant 0 : i32
      %dma_wait3A_224 = tpu.memref_slice %arg9[%dma_wait3A_222, %dma_wait3A_223] : memref<2x128xi32, #tpu.memory_space<vmem>> -> memref<1x128xi32, #tpu.memory_space<vmem>>
      %dma_wait3A_225 = tpu.memref_squeeze %dma_wait3A_224 : memref<1x128xi32, #tpu.memory_space<vmem>> -> memref<128xi32, #tpu.memory_space<vmem>>
      %dma_wait3A_226 = arith.constant 0 : i32
      %dma_wait3A_227 = arith.constant 0 : i32
      %dma_wait3A_228 = tpu.memref_slice %arg2[%dma_wait3A_226, %dma_wait3A_227] : memref<10240x128xf32, #tpu.memory_space<hbm>> -> memref<10240x128xf32, #tpu.memory_space<hbm>>
      tpu.wait_indirect_dma semaphore(%arg13 : memref<!tpu.dma_semaphore, #tpu.memory_space<semaphore_mem>>) src(%dma_wait3A_228 : memref<10240x128xf32, #tpu.memory_space<hbm>>) dst(%arg11 : memref<128x128xf32, #tpu.memory_space<vmem>>)
      %run_scoped3A_229 = arith.constant 1 : i32
      "tpu.region"() ({
        %run_scoped3A_280 = tpu.sem_alloc : memref<!tpu.dma_semaphore, #tpu.memory_space<semaphore_mem>>
        %dma_start3A_281 = arith.constant 0 : i32
        %dma_start3A_282 = tpu.memref_slice %arg9[%run_scoped3A_229, %dma_start3A_281] : memref<2x128xi32, #tpu.memory_space<vmem>> -> memref<1x128xi32, #tpu.memory_space<vmem>>
        %dma_start3A_283 = tpu.memref_squeeze %dma_start3A_282 : memref<1x128xi32, #tpu.memory_space<vmem>> -> memref<128xi32, #tpu.memory_space<vmem>>
        %dma_start3A_284 = arith.constant 0 : i32
        %dma_start3A_285 = arith.constant 0 : i32
        %dma_start3A_286 = tpu.memref_slice %arg6[%dma_start3A_284, %dma_start3A_285] : memref<10240x128xf32, #tpu.memory_space<vmem_shared>> -> memref<10240x128xf32, #tpu.memory_space<vmem_shared>>
        tpu.enqueue_indirect_dma source(%arg11 : memref<128x128xf32, #tpu.memory_space<vmem>>) target(%dma_start3A_286 : memref<10240x128xf32, #tpu.memory_space<vmem_shared>>) offsets(%dma_start3A_283 : memref<128xi32, #tpu.memory_space<vmem>>) semaphore(%run_scoped3A_280 : memref<!tpu.dma_semaphore, #tpu.memory_space<semaphore_mem>>) {add = true}
        %dma_wait3A_287 = arith.constant 0 : i32
        %dma_wait3A_288 = tpu.memref_slice %arg9[%run_scoped3A_229, %dma_wait3A_287] : memref<2x128xi32, #tpu.memory_space<vmem>> -> memref<1x128xi32, #tpu.memory_space<vmem>>
        %dma_wait3A_289 = tpu.memref_squeeze %dma_wait3A_288 : memref<1x128xi32, #tpu.memory_space<vmem>> -> memref<128xi32, #tpu.memory_space<vmem>>
        %dma_wait3A_290 = arith.constant 0 : i32
        %dma_wait3A_291 = arith.constant 0 : i32
        %dma_wait3A_292 = tpu.memref_slice %arg6[%dma_wait3A_290, %dma_wait3A_291] : memref<10240x128xf32, #tpu.memory_space<vmem_shared>> -> memref<10240x128xf32, #tpu.memory_space<vmem_shared>>
        tpu.wait_indirect_dma semaphore(%run_scoped3A_280 : memref<!tpu.dma_semaphore, #tpu.memory_space<semaphore_mem>>) src(%arg11 : memref<128x128xf32, #tpu.memory_space<vmem>>) dst(%dma_wait3A_292 : memref<10240x128xf32, #tpu.memory_space<vmem_shared>>)
        tpu.yield
      }) : () -> ()
      %add3A_230 = arith.constant 3 : i32
      %add3A_231 = arith.addi %add3A_203, %add3A_230 : i32
      %add3A_232 = arith.addi %mul3A_4, %add3A_231 : i32
      %dma_start3A_233 = arith.constant 0 : i32
      %dma_start3A_234 = arith.constant 0 : i32
      %dma_start3A_235 = tpu.memref_slice %arg3[%add3A_232, %dma_start3A_233, %dma_start3A_234] : memref<2528x2x128xi32, #tpu.memory_space<hbm>> -> memref<1x2x128xi32, #tpu.memory_space<hbm>>
      %dma_start3A_236 = tpu.memref_squeeze %dma_start3A_235 : memref<1x2x128xi32, #tpu.memory_space<hbm>> -> memref<2x128xi32, #tpu.memory_space<hbm>>
      %dma_start3A_237 = arith.constant 0 : i32
      %dma_start3A_238 = arith.constant 0 : i32
      %dma_start3A_239 = tpu.memref_slice %arg3[%add3A_232, %dma_start3A_237, %dma_start3A_238] : memref<2528x2x128xi32, #tpu.memory_space<hbm>> -> memref<1x2x128xi32, #tpu.memory_space<hbm>>
      %dma_start3A_240 = tpu.memref_squeeze %dma_start3A_239 : memref<1x2x128xi32, #tpu.memory_space<hbm>> -> memref<2x128xi32, #tpu.memory_space<hbm>>
      tpu.enqueue_dma source(%dma_start3A_240 : memref<2x128xi32, #tpu.memory_space<hbm>>) target(%arg8 : memref<2x128xi32, #tpu.memory_space<vmem>>) target_semaphore(%arg16 : memref<!tpu.dma_semaphore, #tpu.memory_space<semaphore_mem>>)
      %add3A_241 = arith.constant 3 : i32
      %add3A_242 = arith.addi %mul3A_123, %add3A_241 : i32
      %add3A_243 = arith.constant 1 : i32
      %add3A_244 = arith.addi %add3A_242, %add3A_243 : i32
      %add3A_245 = arith.addi %mul3A_4, %add3A_244 : i32
      %dma_wait3A_246 = arith.constant 0 : i32
      %dma_wait3A_247 = arith.constant 0 : i32
      %dma_wait3A_248 = tpu.memref_slice %arg3[%add3A_245, %dma_wait3A_246, %dma_wait3A_247] : memref<2528x2x128xi32, #tpu.memory_space<hbm>> -> memref<1x2x128xi32, #tpu.memory_space<hbm>>
      %dma_wait3A_249 = tpu.memref_squeeze %dma_wait3A_248 : memref<1x2x128xi32, #tpu.memory_space<hbm>> -> memref<2x128xi32, #tpu.memory_space<hbm>>
      %dma_wait3A_250 = arith.constant 0 : i32
      %dma_wait3A_251 = arith.constant 0 : i32
      %dma_wait3A_252 = tpu.memref_slice %arg3[%add3A_245, %dma_wait3A_250, %dma_wait3A_251] : memref<2528x2x128xi32, #tpu.memory_space<hbm>> -> memref<1x2x128xi32, #tpu.memory_space<hbm>>
      %dma_wait3A_253 = tpu.memref_squeeze %dma_wait3A_252 : memref<1x2x128xi32, #tpu.memory_space<hbm>> -> memref<2x128xi32, #tpu.memory_space<hbm>>
      tpu.wait_dma2 semaphore(%arg15 : memref<!tpu.dma_semaphore, #tpu.memory_space<semaphore_mem>>) src(%dma_wait3A_253 : memref<2x128xi32, #tpu.memory_space<hbm>>) dst(%arg7 : memref<2x128xi32, #tpu.memory_space<vmem>>)
      %dma_start3A_254 = arith.constant 0 : i32
      %dma_start3A_255 = arith.constant 0 : i32
      %dma_start3A_256 = tpu.memref_slice %arg7[%dma_start3A_254, %dma_start3A_255] : memref<2x128xi32, #tpu.memory_space<vmem>> -> memref<1x128xi32, #tpu.memory_space<vmem>>
      %dma_start3A_257 = tpu.memref_squeeze %dma_start3A_256 : memref<1x128xi32, #tpu.memory_space<vmem>> -> memref<128xi32, #tpu.memory_space<vmem>>
      %dma_start3A_258 = arith.constant 0 : i32
      %dma_start3A_259 = arith.constant 0 : i32
      %dma_start3A_260 = tpu.memref_slice %arg2[%dma_start3A_258, %dma_start3A_259] : memref<10240x128xf32, #tpu.memory_space<hbm>> -> memref<10240x128xf32, #tpu.memory_space<hbm>>
      tpu.enqueue_indirect_dma source(%dma_start3A_260 : memref<10240x128xf32, #tpu.memory_space<hbm>>) target(%arg11 : memref<128x128xf32, #tpu.memory_space<vmem>>) offsets(%dma_start3A_257 : memref<128xi32, #tpu.memory_space<vmem>>) semaphore(%arg13 : memref<!tpu.dma_semaphore, #tpu.memory_space<semaphore_mem>>)
      %dma_wait3A_261 = arith.constant 0 : i32
      %dma_wait3A_262 = arith.constant 0 : i32
      %dma_wait3A_263 = tpu.memref_slice %arg10[%dma_wait3A_261, %dma_wait3A_262] : memref<2x128xi32, #tpu.memory_space<vmem>> -> memref<1x128xi32, #tpu.memory_space<vmem>>
      %dma_wait3A_264 = tpu.memref_squeeze %dma_wait3A_263 : memref<1x128xi32, #tpu.memory_space<vmem>> -> memref<128xi32, #tpu.memory_space<vmem>>
      %dma_wait3A_265 = arith.constant 0 : i32
      %dma_wait3A_266 = arith.constant 0 : i32
      %dma_wait3A_267 = tpu.memref_slice %arg2[%dma_wait3A_265, %dma_wait3A_266] : memref<10240x128xf32, #tpu.memory_space<hbm>> -> memref<10240x128xf32, #tpu.memory_space<hbm>>
      tpu.wait_indirect_dma semaphore(%arg14 : memref<!tpu.dma_semaphore, #tpu.memory_space<semaphore_mem>>) src(%dma_wait3A_267 : memref<10240x128xf32, #tpu.memory_space<hbm>>) dst(%arg12 : memref<128x128xf32, #tpu.memory_space<vmem>>)
      %run_scoped3A_268 = arith.constant 1 : i32
      "tpu.region"() ({
        %run_scoped3A_280 = tpu.sem_alloc : memref<!tpu.dma_semaphore, #tpu.memory_space<semaphore_mem>>
        %dma_start3A_281 = arith.constant 0 : i32
        %dma_start3A_282 = tpu.memref_slice %arg10[%run_scoped3A_268, %dma_start3A_281] : memref<2x128xi32, #tpu.memory_space<vmem>> -> memref<1x128xi32, #tpu.memory_space<vmem>>
        %dma_start3A_283 = tpu.memref_squeeze %dma_start3A_282 : memref<1x128xi32, #tpu.memory_space<vmem>> -> memref<128xi32, #tpu.memory_space<vmem>>
        %dma_start3A_284 = arith.constant 0 : i32
        %dma_start3A_285 = arith.constant 0 : i32
        %dma_start3A_286 = tpu.memref_slice %arg6[%dma_start3A_284, %dma_start3A_285] : memref<10240x128xf32, #tpu.memory_space<vmem_shared>> -> memref<10240x128xf32, #tpu.memory_space<vmem_shared>>
        tpu.enqueue_indirect_dma source(%arg12 : memref<128x128xf32, #tpu.memory_space<vmem>>) target(%dma_start3A_286 : memref<10240x128xf32, #tpu.memory_space<vmem_shared>>) offsets(%dma_start3A_283 : memref<128xi32, #tpu.memory_space<vmem>>) semaphore(%run_scoped3A_280 : memref<!tpu.dma_semaphore, #tpu.memory_space<semaphore_mem>>) {add = true}
        %dma_wait3A_287 = arith.constant 0 : i32
        %dma_wait3A_288 = tpu.memref_slice %arg10[%run_scoped3A_268, %dma_wait3A_287] : memref<2x128xi32, #tpu.memory_space<vmem>> -> memref<1x128xi32, #tpu.memory_space<vmem>>
        %dma_wait3A_289 = tpu.memref_squeeze %dma_wait3A_288 : memref<1x128xi32, #tpu.memory_space<vmem>> -> memref<128xi32, #tpu.memory_space<vmem>>
        %dma_wait3A_290 = arith.constant 0 : i32
        %dma_wait3A_291 = arith.constant 0 : i32
        %dma_wait3A_292 = tpu.memref_slice %arg6[%dma_wait3A_290, %dma_wait3A_291] : memref<10240x128xf32, #tpu.memory_space<vmem_shared>> -> memref<10240x128xf32, #tpu.memory_space<vmem_shared>>
        tpu.wait_indirect_dma semaphore(%run_scoped3A_280 : memref<!tpu.dma_semaphore, #tpu.memory_space<semaphore_mem>>) src(%arg12 : memref<128x128xf32, #tpu.memory_space<vmem>>) dst(%dma_wait3A_292 : memref<10240x128xf32, #tpu.memory_space<vmem_shared>>)
        tpu.yield
      }) : () -> ()
      %add3A_269 = arith.constant 3 : i32
      %add3A_270 = arith.addi %add3A_242, %add3A_269 : i32
      %add3A_271 = arith.addi %mul3A_4, %add3A_270 : i32
      %dma_start3A_272 = arith.constant 0 : i32
      %dma_start3A_273 = arith.constant 0 : i32
      %dma_start3A_274 = tpu.memref_slice %arg3[%add3A_271, %dma_start3A_272, %dma_start3A_273] : memref<2528x2x128xi32, #tpu.memory_space<hbm>> -> memref<1x2x128xi32, #tpu.memory_space<hbm>>
      %dma_start3A_275 = tpu.memref_squeeze %dma_start3A_274 : memref<1x2x128xi32, #tpu.memory_space<hbm>> -> memref<2x128xi32, #tpu.memory_space<hbm>>
      %dma_start3A_276 = arith.constant 0 : i32
      %dma_start3A_277 = arith.constant 0 : i32
      %dma_start3A_278 = tpu.memref_slice %arg3[%add3A_271, %dma_start3A_276, %dma_start3A_277] : memref<2528x2x128xi32, #tpu.memory_space<hbm>> -> memref<1x2x128xi32, #tpu.memory_space<hbm>>
      %dma_start3A_279 = tpu.memref_squeeze %dma_start3A_278 : memref<1x2x128xi32, #tpu.memory_space<hbm>> -> memref<2x128xi32, #tpu.memory_space<hbm>>
      tpu.enqueue_dma source(%dma_start3A_279 : memref<2x128xi32, #tpu.memory_space<hbm>>) target(%arg9 : memref<2x128xi32, #tpu.memory_space<vmem>>) target_semaphore(%arg17 : memref<!tpu.dma_semaphore, #tpu.memory_space<semaphore_mem>>)
    }
    %scan3A_62 = arith.constant 19 : i32
    %add3A_63 = arith.constant 77 : i32
    %add3A_64 = arith.addi %mul3A_4, %add3A_63 : i32
    %dma_wait3A_65 = arith.constant 0 : i32
    %dma_wait3A_66 = arith.constant 0 : i32
    %dma_wait3A_67 = tpu.memref_slice %arg3[%add3A_64, %dma_wait3A_65, %dma_wait3A_66] : memref<2528x2x128xi32, #tpu.memory_space<hbm>> -> memref<1x2x128xi32, #tpu.memory_space<hbm>>
    %dma_wait3A_68 = tpu.memref_squeeze %dma_wait3A_67 : memref<1x2x128xi32, #tpu.memory_space<hbm>> -> memref<2x128xi32, #tpu.memory_space<hbm>>
    %dma_wait3A_69 = arith.constant 0 : i32
    %dma_wait3A_70 = arith.constant 0 : i32
    %dma_wait3A_71 = tpu.memref_slice %arg3[%add3A_64, %dma_wait3A_69, %dma_wait3A_70] : memref<2528x2x128xi32, #tpu.memory_space<hbm>> -> memref<1x2x128xi32, #tpu.memory_space<hbm>>
    %dma_wait3A_72 = tpu.memref_squeeze %dma_wait3A_71 : memref<1x2x128xi32, #tpu.memory_space<hbm>> -> memref<2x128xi32, #tpu.memory_space<hbm>>
    tpu.wait_dma2 semaphore(%arg16 : memref<!tpu.dma_semaphore, #tpu.memory_space<semaphore_mem>>) src(%dma_wait3A_72 : memref<2x128xi32, #tpu.memory_space<hbm>>) dst(%arg8 : memref<2x128xi32, #tpu.memory_space<vmem>>)
    %dma_start3A_73 = arith.constant 0 : i32
    %dma_start3A_74 = arith.constant 0 : i32
    %dma_start3A_75 = tpu.memref_slice %arg8[%dma_start3A_73, %dma_start3A_74] : memref<2x128xi32, #tpu.memory_space<vmem>> -> memref<1x128xi32, #tpu.memory_space<vmem>>
    %dma_start3A_76 = tpu.memref_squeeze %dma_start3A_75 : memref<1x128xi32, #tpu.memory_space<vmem>> -> memref<128xi32, #tpu.memory_space<vmem>>
    %dma_start3A_77 = arith.constant 0 : i32
    %dma_start3A_78 = arith.constant 0 : i32
    %dma_start3A_79 = tpu.memref_slice %arg2[%dma_start3A_77, %dma_start3A_78] : memref<10240x128xf32, #tpu.memory_space<hbm>> -> memref<10240x128xf32, #tpu.memory_space<hbm>>
    tpu.enqueue_indirect_dma source(%dma_start3A_79 : memref<10240x128xf32, #tpu.memory_space<hbm>>) target(%arg12 : memref<128x128xf32, #tpu.memory_space<vmem>>) offsets(%dma_start3A_76 : memref<128xi32, #tpu.memory_space<vmem>>) semaphore(%arg14 : memref<!tpu.dma_semaphore, #tpu.memory_space<semaphore_mem>>)
    %dma_wait3A_80 = arith.constant 0 : i32
    %dma_wait3A_81 = arith.constant 0 : i32
    %dma_wait3A_82 = tpu.memref_slice %arg7[%dma_wait3A_80, %dma_wait3A_81] : memref<2x128xi32, #tpu.memory_space<vmem>> -> memref<1x128xi32, #tpu.memory_space<vmem>>
    %dma_wait3A_83 = tpu.memref_squeeze %dma_wait3A_82 : memref<1x128xi32, #tpu.memory_space<vmem>> -> memref<128xi32, #tpu.memory_space<vmem>>
    %dma_wait3A_84 = arith.constant 0 : i32
    %dma_wait3A_85 = arith.constant 0 : i32
    %dma_wait3A_86 = tpu.memref_slice %arg2[%dma_wait3A_84, %dma_wait3A_85] : memref<10240x128xf32, #tpu.memory_space<hbm>> -> memref<10240x128xf32, #tpu.memory_space<hbm>>
    tpu.wait_indirect_dma semaphore(%arg13 : memref<!tpu.dma_semaphore, #tpu.memory_space<semaphore_mem>>) src(%dma_wait3A_86 : memref<10240x128xf32, #tpu.memory_space<hbm>>) dst(%arg11 : memref<128x128xf32, #tpu.memory_space<vmem>>)
    %run_scoped3A = arith.constant 1 : i32
    "tpu.region"() ({
      %run_scoped3A_121 = tpu.sem_alloc : memref<!tpu.dma_semaphore, #tpu.memory_space<semaphore_mem>>
      %dma_start3A_122 = arith.constant 0 : i32
      %dma_start3A_123 = tpu.memref_slice %arg7[%run_scoped3A, %dma_start3A_122] : memref<2x128xi32, #tpu.memory_space<vmem>> -> memref<1x128xi32, #tpu.memory_space<vmem>>
      %dma_start3A_124 = tpu.memref_squeeze %dma_start3A_123 : memref<1x128xi32, #tpu.memory_space<vmem>> -> memref<128xi32, #tpu.memory_space<vmem>>
      %dma_start3A_125 = arith.constant 0 : i32
      %dma_start3A_126 = arith.constant 0 : i32
      %dma_start3A_127 = tpu.memref_slice %arg6[%dma_start3A_125, %dma_start3A_126] : memref<10240x128xf32, #tpu.memory_space<vmem_shared>> -> memref<10240x128xf32, #tpu.memory_space<vmem_shared>>
      tpu.enqueue_indirect_dma source(%arg11 : memref<128x128xf32, #tpu.memory_space<vmem>>) target(%dma_start3A_127 : memref<10240x128xf32, #tpu.memory_space<vmem_shared>>) offsets(%dma_start3A_124 : memref<128xi32, #tpu.memory_space<vmem>>) semaphore(%run_scoped3A_121 : memref<!tpu.dma_semaphore, #tpu.memory_space<semaphore_mem>>) {add = true}
      %dma_wait3A_128 = arith.constant 0 : i32
      %dma_wait3A_129 = tpu.memref_slice %arg7[%run_scoped3A, %dma_wait3A_128] : memref<2x128xi32, #tpu.memory_space<vmem>> -> memref<1x128xi32, #tpu.memory_space<vmem>>
      %dma_wait3A_130 = tpu.memref_squeeze %dma_wait3A_129 : memref<1x128xi32, #tpu.memory_space<vmem>> -> memref<128xi32, #tpu.memory_space<vmem>>
      %dma_wait3A_131 = arith.constant 0 : i32
      %dma_wait3A_132 = arith.constant 0 : i32
      %dma_wait3A_133 = tpu.memref_slice %arg6[%dma_wait3A_131, %dma_wait3A_132] : memref<10240x128xf32, #tpu.memory_space<vmem_shared>> -> memref<10240x128xf32, #tpu.memory_space<vmem_shared>>
      tpu.wait_indirect_dma semaphore(%run_scoped3A_121 : memref<!tpu.dma_semaphore, #tpu.memory_space<semaphore_mem>>) src(%arg11 : memref<128x128xf32, #tpu.memory_space<vmem>>) dst(%dma_wait3A_133 : memref<10240x128xf32, #tpu.memory_space<vmem_shared>>)
      tpu.yield
    }) : () -> ()
    %add3A_87 = arith.constant 78 : i32
    %add3A_88 = arith.addi %mul3A_4, %add3A_87 : i32
    %dma_wait3A_89 = arith.constant 0 : i32
    %dma_wait3A_90 = arith.constant 0 : i32
    %dma_wait3A_91 = tpu.memref_slice %arg3[%add3A_88, %dma_wait3A_89, %dma_wait3A_90] : memref<2528x2x128xi32, #tpu.memory_space<hbm>> -> memref<1x2x128xi32, #tpu.memory_space<hbm>>
    %dma_wait3A_92 = tpu.memref_squeeze %dma_wait3A_91 : memref<1x2x128xi32, #tpu.memory_space<hbm>> -> memref<2x128xi32, #tpu.memory_space<hbm>>
    %dma_wait3A_93 = arith.constant 0 : i32
    %dma_wait3A_94 = arith.constant 0 : i32
    %dma_wait3A_95 = tpu.memref_slice %arg3[%add3A_88, %dma_wait3A_93, %dma_wait3A_94] : memref<2528x2x128xi32, #tpu.memory_space<hbm>> -> memref<1x2x128xi32, #tpu.memory_space<hbm>>
    %dma_wait3A_96 = tpu.memref_squeeze %dma_wait3A_95 : memref<1x2x128xi32, #tpu.memory_space<hbm>> -> memref<2x128xi32, #tpu.memory_space<hbm>>
    tpu.wait_dma2 semaphore(%arg17 : memref<!tpu.dma_semaphore, #tpu.memory_space<semaphore_mem>>) src(%dma_wait3A_96 : memref<2x128xi32, #tpu.memory_space<hbm>>) dst(%arg9 : memref<2x128xi32, #tpu.memory_space<vmem>>)
    %dma_start3A_97 = arith.constant 0 : i32
    %dma_start3A_98 = arith.constant 0 : i32
    %dma_start3A_99 = tpu.memref_slice %arg9[%dma_start3A_97, %dma_start3A_98] : memref<2x128xi32, #tpu.memory_space<vmem>> -> memref<1x128xi32, #tpu.memory_space<vmem>>
    %dma_start3A_100 = tpu.memref_squeeze %dma_start3A_99 : memref<1x128xi32, #tpu.memory_space<vmem>> -> memref<128xi32, #tpu.memory_space<vmem>>
    %dma_start3A_101 = arith.constant 0 : i32
    %dma_start3A_102 = arith.constant 0 : i32
    %dma_start3A_103 = tpu.memref_slice %arg2[%dma_start3A_101, %dma_start3A_102] : memref<10240x128xf32, #tpu.memory_space<hbm>> -> memref<10240x128xf32, #tpu.memory_space<hbm>>
    tpu.enqueue_indirect_dma source(%dma_start3A_103 : memref<10240x128xf32, #tpu.memory_space<hbm>>) target(%arg11 : memref<128x128xf32, #tpu.memory_space<vmem>>) offsets(%dma_start3A_100 : memref<128xi32, #tpu.memory_space<vmem>>) semaphore(%arg13 : memref<!tpu.dma_semaphore, #tpu.memory_space<semaphore_mem>>)
    %dma_wait3A_104 = arith.constant 0 : i32
    %dma_wait3A_105 = arith.constant 0 : i32
    %dma_wait3A_106 = tpu.memref_slice %arg8[%dma_wait3A_104, %dma_wait3A_105] : memref<2x128xi32, #tpu.memory_space<vmem>> -> memref<1x128xi32, #tpu.memory_space<vmem>>
    %dma_wait3A_107 = tpu.memref_squeeze %dma_wait3A_106 : memref<1x128xi32, #tpu.memory_space<vmem>> -> memref<128xi32, #tpu.memory_space<vmem>>
    %dma_wait3A_108 = arith.constant 0 : i32
    %dma_wait3A_109 = arith.constant 0 : i32
    %dma_wait3A_110 = tpu.memref_slice %arg2[%dma_wait3A_108, %dma_wait3A_109] : memref<10240x128xf32, #tpu.memory_space<hbm>> -> memref<10240x128xf32, #tpu.memory_space<hbm>>
    tpu.wait_indirect_dma semaphore(%arg14 : memref<!tpu.dma_semaphore, #tpu.memory_space<semaphore_mem>>) src(%dma_wait3A_110 : memref<10240x128xf32, #tpu.memory_space<hbm>>) dst(%arg12 : memref<128x128xf32, #tpu.memory_space<vmem>>)
    %run_scoped3A_111 = arith.constant 1 : i32
    "tpu.region"() ({
      %run_scoped3A_121 = tpu.sem_alloc : memref<!tpu.dma_semaphore, #tpu.memory_space<semaphore_mem>>
      %dma_start3A_122 = arith.constant 0 : i32
      %dma_start3A_123 = tpu.memref_slice %arg8[%run_scoped3A_111, %dma_start3A_122] : memref<2x128xi32, #tpu.memory_space<vmem>> -> memref<1x128xi32, #tpu.memory_space<vmem>>
      %dma_start3A_124 = tpu.memref_squeeze %dma_start3A_123 : memref<1x128xi32, #tpu.memory_space<vmem>> -> memref<128xi32, #tpu.memory_space<vmem>>
      %dma_start3A_125 = arith.constant 0 : i32
      %dma_start3A_126 = arith.constant 0 : i32
      %dma_start3A_127 = tpu.memref_slice %arg6[%dma_start3A_125, %dma_start3A_126] : memref<10240x128xf32, #tpu.memory_space<vmem_shared>> -> memref<10240x128xf32, #tpu.memory_space<vmem_shared>>
      tpu.enqueue_indirect_dma source(%arg12 : memref<128x128xf32, #tpu.memory_space<vmem>>) target(%dma_start3A_127 : memref<10240x128xf32, #tpu.memory_space<vmem_shared>>) offsets(%dma_start3A_124 : memref<128xi32, #tpu.memory_space<vmem>>) semaphore(%run_scoped3A_121 : memref<!tpu.dma_semaphore, #tpu.memory_space<semaphore_mem>>) {add = true}
      %dma_wait3A_128 = arith.constant 0 : i32
      %dma_wait3A_129 = tpu.memref_slice %arg8[%run_scoped3A_111, %dma_wait3A_128] : memref<2x128xi32, #tpu.memory_space<vmem>> -> memref<1x128xi32, #tpu.memory_space<vmem>>
      %dma_wait3A_130 = tpu.memref_squeeze %dma_wait3A_129 : memref<1x128xi32, #tpu.memory_space<vmem>> -> memref<128xi32, #tpu.memory_space<vmem>>
      %dma_wait3A_131 = arith.constant 0 : i32
      %dma_wait3A_132 = arith.constant 0 : i32
      %dma_wait3A_133 = tpu.memref_slice %arg6[%dma_wait3A_131, %dma_wait3A_132] : memref<10240x128xf32, #tpu.memory_space<vmem_shared>> -> memref<10240x128xf32, #tpu.memory_space<vmem_shared>>
      tpu.wait_indirect_dma semaphore(%run_scoped3A_121 : memref<!tpu.dma_semaphore, #tpu.memory_space<semaphore_mem>>) src(%arg12 : memref<128x128xf32, #tpu.memory_space<vmem>>) dst(%dma_wait3A_133 : memref<10240x128xf32, #tpu.memory_space<vmem_shared>>)
      tpu.yield
    }) : () -> ()
    %dma_wait3A_112 = arith.constant 0 : i32
    %dma_wait3A_113 = arith.constant 0 : i32
    %dma_wait3A_114 = tpu.memref_slice %arg9[%dma_wait3A_112, %dma_wait3A_113] : memref<2x128xi32, #tpu.memory_space<vmem>> -> memref<1x128xi32, #tpu.memory_space<vmem>>
    %dma_wait3A_115 = tpu.memref_squeeze %dma_wait3A_114 : memref<1x128xi32, #tpu.memory_space<vmem>> -> memref<128xi32, #tpu.memory_space<vmem>>
    %dma_wait3A_116 = arith.constant 0 : i32
    %dma_wait3A_117 = arith.constant 0 : i32
    %dma_wait3A_118 = tpu.memref_slice %arg2[%dma_wait3A_116, %dma_wait3A_117] : memref<10240x128xf32, #tpu.memory_space<hbm>> -> memref<10240x128xf32, #tpu.memory_space<hbm>>
    tpu.wait_indirect_dma semaphore(%arg13 : memref<!tpu.dma_semaphore, #tpu.memory_space<semaphore_mem>>) src(%dma_wait3A_118 : memref<10240x128xf32, #tpu.memory_space<hbm>>) dst(%arg11 : memref<128x128xf32, #tpu.memory_space<vmem>>)
    %run_scoped3A_119 = arith.constant 1 : i32
    "tpu.region"() ({
      %run_scoped3A_121 = tpu.sem_alloc : memref<!tpu.dma_semaphore, #tpu.memory_space<semaphore_mem>>
      %dma_start3A_122 = arith.constant 0 : i32
      %dma_start3A_123 = tpu.memref_slice %arg9[%run_scoped3A_119, %dma_start3A_122] : memref<2x128xi32, #tpu.memory_space<vmem>> -> memref<1x128xi32, #tpu.memory_space<vmem>>
      %dma_start3A_124 = tpu.memref_squeeze %dma_start3A_123 : memref<1x128xi32, #tpu.memory_space<vmem>> -> memref<128xi32, #tpu.memory_space<vmem>>
      %dma_start3A_125 = arith.constant 0 : i32
      %dma_start3A_126 = arith.constant 0 : i32
      %dma_start3A_127 = tpu.memref_slice %arg6[%dma_start3A_125, %dma_start3A_126] : memref<10240x128xf32, #tpu.memory_space<vmem_shared>> -> memref<10240x128xf32, #tpu.memory_space<vmem_shared>>
      tpu.enqueue_indirect_dma source(%arg11 : memref<128x128xf32, #tpu.memory_space<vmem>>) target(%dma_start3A_127 : memref<10240x128xf32, #tpu.memory_space<vmem_shared>>) offsets(%dma_start3A_124 : memref<128xi32, #tpu.memory_space<vmem>>) semaphore(%run_scoped3A_121 : memref<!tpu.dma_semaphore, #tpu.memory_space<semaphore_mem>>) {add = true}
      %dma_wait3A_128 = arith.constant 0 : i32
      %dma_wait3A_129 = tpu.memref_slice %arg9[%run_scoped3A_119, %dma_wait3A_128] : memref<2x128xi32, #tpu.memory_space<vmem>> -> memref<1x128xi32, #tpu.memory_space<vmem>>
      %dma_wait3A_130 = tpu.memref_squeeze %dma_wait3A_129 : memref<1x128xi32, #tpu.memory_space<vmem>> -> memref<128xi32, #tpu.memory_space<vmem>>
      %dma_wait3A_131 = arith.constant 0 : i32
      %dma_wait3A_132 = arith.constant 0 : i32
      %dma_wait3A_133 = tpu.memref_slice %arg6[%dma_wait3A_131, %dma_wait3A_132] : memref<10240x128xf32, #tpu.memory_space<vmem_shared>> -> memref<10240x128xf32, #tpu.memory_space<vmem_shared>>
      tpu.wait_indirect_dma semaphore(%run_scoped3A_121 : memref<!tpu.dma_semaphore, #tpu.memory_space<semaphore_mem>>) src(%arg11 : memref<128x128xf32, #tpu.memory_space<vmem>>) dst(%dma_wait3A_133 : memref<10240x128xf32, #tpu.memory_space<vmem_shared>>)
      tpu.yield
    }) : () -> ()
    %barrier3A_120 = arith.constant 0 : index
    tpu.barrier barrier_id(%barrier3A_120)
    "tpu.region"() ({
      %run_scoped3A_121 = tpu.sem_alloc : memref<!tpu.dma_semaphore, #tpu.memory_space<semaphore_mem>>
      %dma_start3A_122 = arith.constant 0 : i32
      %dma_start3A_123 = tpu.memref_slice %arg5[%arg0, %mul3A_2, %dma_start3A_122] : memref<2x10240x128xf32, #tpu.memory_space<hbm>> -> memref<1x640x128xf32, #tpu.memory_space<hbm>>
      %dma_start3A_124 = tpu.memref_squeeze %dma_start3A_123 : memref<1x640x128xf32, #tpu.memory_space<hbm>> -> memref<640x128xf32, #tpu.memory_space<hbm>>
      %dma_start3A_125 = arith.constant 0 : i32
      %dma_start3A_126 = tpu.memref_slice %arg6[%mul3A_2, %dma_start3A_125] : memref<10240x128xf32, #tpu.memory_space<vmem_shared>> -> memref<640x128xf32, #tpu.memory_space<vmem_shared>>
      tpu.enqueue_dma source(%dma_start3A_126 : memref<640x128xf32, #tpu.memory_space<vmem_shared>>) target(%dma_start3A_124 : memref<640x128xf32, #tpu.memory_space<hbm>>) target_semaphore(%run_scoped3A_121 : memref<!tpu.dma_semaphore, #tpu.memory_space<semaphore_mem>>)
      %dma_wait3A_127 = arith.constant 0 : i32
      %dma_wait3A_128 = tpu.memref_slice %arg5[%arg0, %mul3A_2, %dma_wait3A_127] : memref<2x10240x128xf32, #tpu.memory_space<hbm>> -> memref<1x640x128xf32, #tpu.memory_space<hbm>>
      %dma_wait3A_129 = tpu.memref_squeeze %dma_wait3A_128 : memref<1x640x128xf32, #tpu.memory_space<hbm>> -> memref<640x128xf32, #tpu.memory_space<hbm>>
      %dma_wait3A_130 = arith.constant 0 : i32
      %dma_wait3A_131 = tpu.memref_slice %arg6[%mul3A_2, %dma_wait3A_130] : memref<10240x128xf32, #tpu.memory_space<vmem_shared>> -> memref<640x128xf32, #tpu.memory_space<vmem_shared>>
      tpu.wait_dma2 semaphore(%run_scoped3A_121 : memref<!tpu.dma_semaphore, #tpu.memory_space<semaphore_mem>>) src(%dma_wait3A_131 : memref<640x128xf32, #tpu.memory_space<vmem_shared>>) dst(%dma_wait3A_129 : memref<640x128xf32, #tpu.memory_space<hbm>>)
      tpu.yield
    }) : () -> ()
    return
  }
}

module attributes {stable_mosaic.version = 14 : i64} {
  func.func @_pre_body(%arg0: i32, %arg1: memref<32x2048xf32, #tpu.memory_space<vmem>>, %arg2: memref<2048x128xf32, #tpu.memory_space<vmem>>, %arg3: memref<128x128xf32, #tpu.memory_space<vmem>>, %arg4: memref<1x128xf32, #tpu.memory_space<vmem>>, %arg5: memref<2048x128xf32, #tpu.memory_space<vmem>>) attributes {dimension_semantics = [#tpu.dimension_semantics<arbitrary>], iteration_bounds = array<i64: 5>, scalar_prefetch = 0 : i64, scratch_operands = 0 : i64, tpu.core_type = #tpu.core_type<tc>, window_params = [{transform_indices = @transform_0, window_bounds = array<i64: 32, 2048>}, {transform_indices = @transform_1, window_bounds = array<i64: 2048, 128>}, {pipeline_mode = #tpu.pipeline_mode<synchronous>, transform_indices = @transform_2, window_bounds = array<i64: 128, 128>}, {pipeline_mode = #tpu.pipeline_mode<synchronous>, transform_indices = @transform_3, window_bounds = array<i64: 1, 128>}, {transform_indices = @transform_4, window_bounds = array<i64: 2048, 128>}]} {
    %get3A = arith.constant 0 : index
    %get3A_0 = arith.constant 0 : index
    %get3A_1 = vector.load %arg1[%get3A, %get3A_0] : memref<32x2048xf32, #tpu.memory_space<vmem>>, vector<32x2048xf32>
    %reduce_sum3A = arith.constant dense<0.000000e+00> : vector<2048xf32>
    %reduce_sum3A_2 = vector.multi_reduction <add>, %get3A_1, %reduce_sum3A [0] : vector<32x2048xf32> to vector<2048xf32>
    %add3A = arith.constant 1.000000e+00 : f32
    %add3A_3 = vector.broadcast %add3A : f32 to vector<2048xf32>
    %add3A_4 = arith.addf %reduce_sum3A_2, %add3A_3 : vector<2048xf32>
    %rsqrt3A = math.rsqrt %add3A_4 : vector<2048xf32>
    %get3A_5 = arith.constant 0 : index
    %get3A_6 = arith.constant 0 : index
    %get3A_7 = vector.load %arg2[%get3A_5, %get3A_6] : memref<2048x128xf32, #tpu.memory_space<vmem>>, vector<2048x128xf32>
    %get3A_8 = arith.constant 0 : index
    %get3A_9 = arith.constant 0 : index
    %get3A_10 = vector.load %arg3[%get3A_8, %get3A_9] : memref<128x128xf32, #tpu.memory_space<vmem>>, vector<128x128xf32>
    %dot_general3A = arith.constant dense<0.000000e+00> : vector<2048x128xf32>
    %dot_general3A_11 = tpu.matmul %get3A_7, %get3A_10, %dot_general3A {dimension_numbers = #tpu.dot_dimension_numbers<[1], [1], [0], [0], [0, 0, 1, 0], [], []>, transpose_lhs_hint = false} : vector<2048x128xf32>, vector<128x128xf32>, vector<2048x128xf32> -> vector<2048x128xf32>
    %get3A_12 = arith.constant 0 : index
    %get3A_13 = arith.constant 0 : index
    %get3A_14 = vector.load %arg4[%get3A_12, %get3A_13] : memref<1x128xf32, #tpu.memory_space<vmem>>, vector<1x128xf32>
    %add3A_15 = vector.broadcast %get3A_14 : vector<1x128xf32> to vector<2048x128xf32>
    %add3A_16 = arith.addf %dot_general3A_11, %add3A_15 : vector<2048x128xf32>
    %broadcast_in_dim3A = vector.shape_cast %rsqrt3A : vector<2048xf32> to vector<2048x1xf32>
    %mul3A = vector.broadcast %broadcast_in_dim3A : vector<2048x1xf32> to vector<2048x128xf32>
    %mul3A_17 = arith.mulf %mul3A, %add3A_16 : vector<2048x128xf32>
    %swap3A = arith.constant 0 : index
    %swap3A_18 = arith.constant 0 : index
    %swap3A_19 = vector.load %arg5[%swap3A, %swap3A_18] : memref<2048x128xf32, #tpu.memory_space<vmem>>, vector<2048x128xf32>
    tpu.vector_store %arg5[%swap3A, %swap3A_18], %mul3A_17 {strides = array<i32>} : memref<2048x128xf32, #tpu.memory_space<vmem>>, vector<2048x128xf32>,
    return
  }
  func.func @transform_0(%arg0: i32) -> (i32, i32) {
    %c0_i32 = arith.constant 0 : i32
    %c0_i32_0 = arith.constant 0 : i32
    return %c0_i32, %arg0 : i32, i32
  }
  func.func @transform_1(%arg0: i32) -> (i32, i32) {
    %c0_i32 = arith.constant 0 : i32
    %c0_i32_0 = arith.constant 0 : i32
    return %arg0, %c0_i32 : i32, i32
  }
  func.func @transform_2(%arg0: i32) -> (i32, i32) {
    %c0_i32 = arith.constant 0 : i32
    %c0_i32_0 = arith.constant 0 : i32
    %c0_i32_1 = arith.constant 0 : i32
    return %c0_i32, %c0_i32_0 : i32, i32
  }
  func.func @transform_3(%arg0: i32) -> (i32, i32) {
    %c0_i32 = arith.constant 0 : i32
    %c0_i32_0 = arith.constant 0 : i32
    %c0_i32_1 = arith.constant 0 : i32
    return %c0_i32, %c0_i32_0 : i32, i32
  }
  func.func @transform_4(%arg0: i32) -> (i32, i32) {
    %c0_i32 = arith.constant 0 : i32
    %c0_i32_0 = arith.constant 0 : i32
    return %arg0, %c0_i32 : i32, i32
  }
}

module attributes {stable_mosaic.version = 14 : i64} {
  func.func @_mid_body(%arg0: i32, %arg1: memref<32x2048xf32, #tpu.memory_space<vmem>>, %arg2: memref<2x2048x128xf32, #tpu.memory_space<vmem>>, %arg3: memref<2048x128xf32, #tpu.memory_space<vmem>>, %arg4: memref<128x128xf32, #tpu.memory_space<vmem>>, %arg5: memref<1x128xf32, #tpu.memory_space<vmem>>, %arg6: memref<2048x128xf32, #tpu.memory_space<vmem>>) attributes {dimension_semantics = [#tpu.dimension_semantics<arbitrary>], iteration_bounds = array<i64: 5>, scalar_prefetch = 0 : i64, scratch_operands = 0 : i64, tpu.core_type = #tpu.core_type<tc>, window_params = [{transform_indices = @transform_0, window_bounds = array<i64: 32, 2048>}, {transform_indices = @transform_1, window_bounds = array<i64: 2, 2048, 128>}, {transform_indices = @transform_2, window_bounds = array<i64: 2048, 128>}, {pipeline_mode = #tpu.pipeline_mode<synchronous>, transform_indices = @transform_3, window_bounds = array<i64: 128, 128>}, {pipeline_mode = #tpu.pipeline_mode<synchronous>, transform_indices = @transform_4, window_bounds = array<i64: 1, 128>}, {transform_indices = @transform_5, window_bounds = array<i64: 2048, 128>}]} {
    %get3A = arith.constant 0 : index
    %get3A_0 = arith.constant 0 : index
    %get3A_1 = vector.load %arg1[%get3A, %get3A_0] : memref<32x2048xf32, #tpu.memory_space<vmem>>, vector<32x2048xf32>
    %reduce_sum3A = arith.constant dense<0.000000e+00> : vector<2048xf32>
    %reduce_sum3A_2 = vector.multi_reduction <add>, %get3A_1, %reduce_sum3A [0] : vector<32x2048xf32> to vector<2048xf32>
    %add3A = arith.constant 1.000000e+00 : f32
    %add3A_3 = vector.broadcast %add3A : f32 to vector<2048xf32>
    %add3A_4 = arith.addf %reduce_sum3A_2, %add3A_3 : vector<2048xf32>
    %rsqrt3A = math.rsqrt %add3A_4 : vector<2048xf32>
    %broadcast_in_dim3A = vector.shape_cast %rsqrt3A : vector<2048xf32> to vector<2048x1xf32>
    %get3A_5 = arith.constant 0 : index
    %get3A_6 = arith.constant 0 : index
    %get3A_7 = arith.constant 0 : index
    %get3A_8 = vector.load %arg2[%get3A_5, %get3A_6, %get3A_7] : memref<2x2048x128xf32, #tpu.memory_space<vmem>>, vector<1x2048x128xf32>
    %get3A_9 = vector.shape_cast %get3A_8 : vector<1x2048x128xf32> to vector<2048x128xf32>
    %get3A_10 = arith.constant 1 : index
    %get3A_11 = arith.constant 0 : index
    %get3A_12 = arith.constant 0 : index
    %get3A_13 = vector.load %arg2[%get3A_10, %get3A_11, %get3A_12] : memref<2x2048x128xf32, #tpu.memory_space<vmem>>, vector<1x2048x128xf32>
    %get3A_14 = vector.shape_cast %get3A_13 : vector<1x2048x128xf32> to vector<2048x128xf32>
    %add3A_15 = arith.addf %get3A_9, %get3A_14 : vector<2048x128xf32>
    %get3A_16 = arith.constant 0 : index
    %get3A_17 = arith.constant 0 : index
    %get3A_18 = vector.load %arg3[%get3A_16, %get3A_17] : memref<2048x128xf32, #tpu.memory_space<vmem>>, vector<2048x128xf32>
    %add3A_19 = arith.addf %add3A_15, %get3A_18 : vector<2048x128xf32>
    %mul3A = vector.broadcast %broadcast_in_dim3A : vector<2048x1xf32> to vector<2048x128xf32>
    %mul3A_20 = arith.mulf %mul3A, %add3A_19 : vector<2048x128xf32>
    %max3A = arith.constant 0.000000e+00 : f32
    %max3A_21 = vector.broadcast %max3A : f32 to vector<2048x128xf32>
    %max3A_22 = arith.maximumf %mul3A_20, %max3A_21 : vector<2048x128xf32>
    %get3A_23 = arith.constant 0 : index
    %get3A_24 = arith.constant 0 : index
    %get3A_25 = vector.load %arg4[%get3A_23, %get3A_24] : memref<128x128xf32, #tpu.memory_space<vmem>>, vector<128x128xf32>
    %dot_general3A = arith.constant dense<0.000000e+00> : vector<2048x128xf32>
    %dot_general3A_26 = tpu.matmul %max3A_22, %get3A_25, %dot_general3A {dimension_numbers = #tpu.dot_dimension_numbers<[1], [1], [0], [0], [0, 0, 1, 0], [], []>, transpose_lhs_hint = false} : vector<2048x128xf32>, vector<128x128xf32>, vector<2048x128xf32> -> vector<2048x128xf32>
    %get3A_27 = arith.constant 0 : index
    %get3A_28 = arith.constant 0 : index
    %get3A_29 = vector.load %arg5[%get3A_27, %get3A_28] : memref<1x128xf32, #tpu.memory_space<vmem>>, vector<1x128xf32>
    %add3A_30 = vector.broadcast %get3A_29 : vector<1x128xf32> to vector<2048x128xf32>
    %add3A_31 = arith.addf %dot_general3A_26, %add3A_30 : vector<2048x128xf32>
    %mul3A_32 = vector.broadcast %broadcast_in_dim3A : vector<2048x1xf32> to vector<2048x128xf32>
    %mul3A_33 = arith.mulf %mul3A_32, %add3A_31 : vector<2048x128xf32>
    %swap3A = arith.constant 0 : index
    %swap3A_34 = arith.constant 0 : index
    %swap3A_35 = vector.load %arg6[%swap3A, %swap3A_34] : memref<2048x128xf32, #tpu.memory_space<vmem>>, vector<2048x128xf32>
    tpu.vector_store %arg6[%swap3A, %swap3A_34], %mul3A_33 {strides = array<i32>} : memref<2048x128xf32, #tpu.memory_space<vmem>>, vector<2048x128xf32>,
    return
  }
  func.func @transform_0(%arg0: i32) -> (i32, i32) {
    %c0_i32 = arith.constant 0 : i32
    %c0_i32_0 = arith.constant 0 : i32
    return %c0_i32, %arg0 : i32, i32
  }
  func.func @transform_1(%arg0: i32) -> (i32, i32, i32) {
    %c0_i32 = arith.constant 0 : i32
    %c0_i32_0 = arith.constant 0 : i32
    %c0_i32_1 = arith.constant 0 : i32
    return %c0_i32, %arg0, %c0_i32_0 : i32, i32, i32
  }
  func.func @transform_2(%arg0: i32) -> (i32, i32) {
    %c0_i32 = arith.constant 0 : i32
    %c0_i32_0 = arith.constant 0 : i32
    return %arg0, %c0_i32 : i32, i32
  }
  func.func @transform_3(%arg0: i32) -> (i32, i32) {
    %c0_i32 = arith.constant 0 : i32
    %c0_i32_0 = arith.constant 0 : i32
    %c0_i32_1 = arith.constant 0 : i32
    return %c0_i32, %c0_i32_0 : i32, i32
  }
  func.func @transform_4(%arg0: i32) -> (i32, i32) {
    %c0_i32 = arith.constant 0 : i32
    %c0_i32_0 = arith.constant 0 : i32
    %c0_i32_1 = arith.constant 0 : i32
    return %c0_i32, %c0_i32_0 : i32, i32
  }
  func.func @transform_5(%arg0: i32) -> (i32, i32) {
    %c0_i32 = arith.constant 0 : i32
    %c0_i32_0 = arith.constant 0 : i32
    return %arg0, %c0_i32 : i32, i32
  }
}

module attributes {stable_mosaic.version = 14 : i64} {
  func.func @_post_body(%arg0: i32, %arg1: memref<32x2048xf32, #tpu.memory_space<vmem>>, %arg2: memref<2x2048x128xf32, #tpu.memory_space<vmem>>, %arg3: memref<2048x128xf32, #tpu.memory_space<vmem>>, %arg4: memref<2048x128xf32, #tpu.memory_space<vmem>>) attributes {dimension_semantics = [#tpu.dimension_semantics<arbitrary>], iteration_bounds = array<i64: 5>, scalar_prefetch = 0 : i64, scratch_operands = 0 : i64, tpu.core_type = #tpu.core_type<tc>, window_params = [{transform_indices = @transform_0, window_bounds = array<i64: 32, 2048>}, {transform_indices = @transform_1, window_bounds = array<i64: 2, 2048, 128>}, {transform_indices = @transform_2, window_bounds = array<i64: 2048, 128>}, {transform_indices = @transform_3, window_bounds = array<i64: 2048, 128>}]} {
    %get3A = arith.constant 0 : index
    %get3A_0 = arith.constant 0 : index
    %get3A_1 = vector.load %arg1[%get3A, %get3A_0] : memref<32x2048xf32, #tpu.memory_space<vmem>>, vector<32x2048xf32>
    %reduce_sum3A = arith.constant dense<0.000000e+00> : vector<2048xf32>
    %reduce_sum3A_2 = vector.multi_reduction <add>, %get3A_1, %reduce_sum3A [0] : vector<32x2048xf32> to vector<2048xf32>
    %add3A = arith.constant 1.000000e+00 : f32
    %add3A_3 = vector.broadcast %add3A : f32 to vector<2048xf32>
    %add3A_4 = arith.addf %reduce_sum3A_2, %add3A_3 : vector<2048xf32>
    %rsqrt3A = math.rsqrt %add3A_4 : vector<2048xf32>
    %broadcast_in_dim3A = vector.shape_cast %rsqrt3A : vector<2048xf32> to vector<2048x1xf32>
    %get3A_5 = arith.constant 0 : index
    %get3A_6 = arith.constant 0 : index
    %get3A_7 = arith.constant 0 : index
    %get3A_8 = vector.load %arg2[%get3A_5, %get3A_6, %get3A_7] : memref<2x2048x128xf32, #tpu.memory_space<vmem>>, vector<1x2048x128xf32>
    %get3A_9 = vector.shape_cast %get3A_8 : vector<1x2048x128xf32> to vector<2048x128xf32>
    %get3A_10 = arith.constant 1 : index
    %get3A_11 = arith.constant 0 : index
    %get3A_12 = arith.constant 0 : index
    %get3A_13 = vector.load %arg2[%get3A_10, %get3A_11, %get3A_12] : memref<2x2048x128xf32, #tpu.memory_space<vmem>>, vector<1x2048x128xf32>
    %get3A_14 = vector.shape_cast %get3A_13 : vector<1x2048x128xf32> to vector<2048x128xf32>
    %add3A_15 = arith.addf %get3A_9, %get3A_14 : vector<2048x128xf32>
    %get3A_16 = arith.constant 0 : index
    %get3A_17 = arith.constant 0 : index
    %get3A_18 = vector.load %arg3[%get3A_16, %get3A_17] : memref<2048x128xf32, #tpu.memory_space<vmem>>, vector<2048x128xf32>
    %add3A_19 = arith.addf %add3A_15, %get3A_18 : vector<2048x128xf32>
    %mul3A = vector.broadcast %broadcast_in_dim3A : vector<2048x1xf32> to vector<2048x128xf32>
    %mul3A_20 = arith.mulf %mul3A, %add3A_19 : vector<2048x128xf32>
    %reduce_max3A = arith.constant dense<0xFF800000> : vector<2048xf32>
    %reduce_max3A_21 = vector.multi_reduction <maximumf>, %mul3A_20, %reduce_max3A [1] : vector<2048x128xf32> to vector<2048xf32>
    %broadcast_in_dim3A_22 = vector.shape_cast %reduce_max3A_21 : vector<2048xf32> to vector<2048x1xf32>
    %sub3A = vector.broadcast %broadcast_in_dim3A_22 : vector<2048x1xf32> to vector<2048x128xf32>
    %sub3A_23 = arith.subf %mul3A_20, %sub3A : vector<2048x128xf32>
    %exp3A = math.exp %sub3A_23 : vector<2048x128xf32>
    %reduce_sum3A_24 = arith.constant dense<0.000000e+00> : vector<2048xf32>
    %reduce_sum3A_25 = vector.multi_reduction <add>, %exp3A, %reduce_sum3A_24 [1] : vector<2048x128xf32> to vector<2048xf32>
    %broadcast_in_dim3A_26 = vector.shape_cast %reduce_sum3A_25 : vector<2048xf32> to vector<2048x1xf32>
    %log3A = math.log %broadcast_in_dim3A_26 : vector<2048x1xf32>
    %sub3A_27 = vector.broadcast %log3A : vector<2048x1xf32> to vector<2048x128xf32>
    %sub3A_28 = arith.subf %sub3A_23, %sub3A_27 : vector<2048x128xf32>
    %swap3A = arith.constant 0 : index
    %swap3A_29 = arith.constant 0 : index
    %swap3A_30 = vector.load %arg4[%swap3A, %swap3A_29] : memref<2048x128xf32, #tpu.memory_space<vmem>>, vector<2048x128xf32>
    tpu.vector_store %arg4[%swap3A, %swap3A_29], %sub3A_28 {strides = array<i32>} : memref<2048x128xf32, #tpu.memory_space<vmem>>, vector<2048x128xf32>,
    return
  }
  func.func @transform_0(%arg0: i32) -> (i32, i32) {
    %c0_i32 = arith.constant 0 : i32
    %c0_i32_0 = arith.constant 0 : i32
    return %c0_i32, %arg0 : i32, i32
  }
  func.func @transform_1(%arg0: i32) -> (i32, i32, i32) {
    %c0_i32 = arith.constant 0 : i32
    %c0_i32_0 = arith.constant 0 : i32
    %c0_i32_1 = arith.constant 0 : i32
    return %c0_i32, %arg0, %c0_i32_0 : i32, i32, i32
  }
  func.func @transform_2(%arg0: i32) -> (i32, i32) {
    %c0_i32 = arith.constant 0 : i32
    %c0_i32_0 = arith.constant 0 : i32
    return %arg0, %c0_i32 : i32, i32
  }
  func.func @transform_3(%arg0: i32) -> (i32, i32) {
    %c0_i32 = arith.constant 0 : i32
    %c0_i32_0 = arith.constant 0 : i32
    return %arg0, %c0_i32 : i32, i32
  }
}

</mosaic_0001>

<sc_bundles>
// kernel: kernel.11.cloned.1.call-start
scs
__scs_entry_jumppad:
0x0: {  	(pc) =	sbr.rel $0x88, $3  }
0x1: {  	(tag) =	ssettag $0x0;
	lr =	simm.s32 $0x1  }
0x2: {  	[smem:$0x3F9B] =	sst lr;
	_ =	strace $0xD0000000  }
0x3: {  	_ = 	snop  }
0x4: {  	_ = 	snop  }
0x5: {  	_ = 	snop  }
0x6: {  	_ = 	snop  }
0x7: {  	_ = 	snop  }
__scs_overlays_trampoline_lowered:
0x8: {  	[smem:$0x3FAA] =	sst s0  }
0x9: {  	[smem:$0x3FAB] =	sst s1  }
0xa: {  	[smem:$0x3FAC] =	sst s2  }
0xb: {  	[smem:$0x3FAD] =	sst s3  }
0xc: {  	[smem:$0x3FAE] =	sst s4  }
0xd: {  	[smem:$0x3FAF] =	sst s5  }
0xe: {  	[smem:$0x3FB0] =	sst s6  }
0xf: {  	[smem:$0x3FB1] =	sst s7  }
0x10: {  	[smem:$0x3FB2] =	sst s8  }
0x11: {  	[smem:$0x3FB3] =	sst s9;
	s0 =	simm.s32 @!p0 $0x0  }
0x12: {  	s1 =	sld [smem:$0x3F99];
	s0 =	simm.s32 @p0 $0x1  }
0x13: {  	[smem:$0x3FB4] =	sst s0;
	s0 =	simm.s32 @!p1 $0x0  }
0x14: {  	s2 =	sld [smem:$0x3F98];
	s0 =	simm.s32 @p1 $0x1  }
0x15: {  	[smem:$0x3FB5] =	sst s0;
	s0 =	simm.s32 @!p2 $0x0  }
0x16: {  	s3 =	sld [smem:$0x3FDB];
	s0 =	simm.s32 @p2 $0x1  }
0x17: {  	s4 =	simm.s32 $0x1BF5;
	[smem:$0x3FB7] =	sst s0  }
0x18: {  	s0 =	sld [smem:$0x3F9A];
	_ =	swait.ge [sflag:s4], $0x0  }
0x19: {  	s7 =	sld [smem:$0x3F9B]  }
0x1a: {  	s8 =	sadd.s32 $0xFFFFE003, lr  }
0x1b: {  	s9 =	sadd.s32 $0xFFFFFEF7, lr;
	s5 =	simm.s32 $0xFFFFFFFF;
	p2 =	slt.u32 s8, $0xFFFFF086  }
0x1c: {  	p1 =	slt.u32 s9, $0xF7A;
	s5 =	simm.s32 @!p2 $0x0  }
0x1d: {  	s5 =	simm.s32 @p1 $0x1;
	p0 =	seq.s32 s7, s2  }
0x1e: {  	s7 =	smul.u32 @!p0 $0xF7A, s2;
	p2 =	seq.s32 @!p0 s5, $0x0  }
0x1f: {  	s9 =	smul.u32 $0xF7A, s1;
	s8 =	simm.s32 @!p0 $0x1BF5;
	p2 =	por !p2, p0  }
0x20: {  	[sflag:s8] =	ssyncset.s32 @!p0 $0xFFFFF086;
	s6 =	sadd.s32 @!p0 s3, s7;
	s7 =	simm.s32 @!p0 $0x108  }
0x21: {  	s3 =	sadd.s32 s3, s9;
	s6 =	sadd.s32 @!p0 $0x88, s6;
	s7 =	simm.s32 @p2 $0x1082  }
0x22: {  	[simem:s7], [sflag:s8] =	dma.local @!p0 [hbm:s6], $0xF7A  }
0x23: {  	s9 =	sor.u32 $0xD0000000, s2;
	s6 =	simm.s32 $0x108;
	_ =	swait.ge @!p0 [sflag:s8], $0x0  }
0x24: {  	s3 =	sadd.s32 $0x88, s3;
	s6 =	simm.s32 @!p1 $0x1082;
	[sflag:s4] =	ssyncset.s32 $0xFFFFF086  }
0x25: {  	[simem:s6], [sflag:s4] =	dma.local [hbm:s3], $0xF7A  }
0x26: {  	[smem:$0x3F9B] =	sst s1;
	(tag) =	ssettag s2;
	_ =	strace s9  }
0x27: {  	s1 =	sld [smem:$0x3FAB]  }
0x28: {  	s2 =	sld [smem:$0x3FAC]  }
0x29: {  	s4 =	sld [smem:$0x3FAE]  }
0x2a: {  	p0 =	seq.s32 s5, $0x0;
	s5 =	sld [smem:$0x3FAF]  }
0x2b: {  	s6 =	sld [smem:$0x3FB0]  }
0x2c: {  	s7 =	sld [smem:$0x3FB1]  }
0x2d: {  	s3 =	simm.s32 $0x108;
	s8 =	sld [smem:$0x3FB2]  }
0x2e: {  	s3 =	simm.s32 @!p0 $0x1082;
	s9 =	sld [smem:$0x3FB3]  }
0x2f: {  	lr =	sadd.s32 s0, s3;
	s0 =	sld [smem:$0x3FAA]  }
0x30: {  	s3 =	sld [smem:$0x3FAD]  }
0x31: {  	[smem:$0x3FB6] =	sst s10  }
0x32: {  	s10 =	sld [smem:$0x3FB4];
	_ =	sdelay $0x3  }
0x33: {  	p0 =	seq.s32 s10, $0x1;
	s10 =	sld [smem:$0x3FB6];
	_ =	sdelay $0x3  }
0x34: {  	[smem:$0x3FB6] =	sst s10  }
0x35: {  	s10 =	sld [smem:$0x3FB5];
	_ =	sdelay $0x3  }
0x36: {  	p1 =	seq.s32 s10, $0x1;
	s10 =	sld [smem:$0x3FB6];
	_ =	sdelay $0x3  }
0x37: {  	[smem:$0x3FB6] =	sst s10  }
0x38: {  	s10 =	sld [smem:$0x3FB7]  }
0x39: {  	_ = 	snop;
	(pc) =	sbr.ind lr, $3  }
0x3a: {  	_ = 	snop  }
0x3b: {  	_ = 	snop  }
0x3c: {  	p2 =	seq.s32 s10, $0x1;
	s10 =	sld [smem:$0x3FB6]  }
0x3d: {  	_ =	shalt  }
0x3e: {  	_ =	shalt  }
0x3f: {  	_ =	shalt  }
0x40: {  	_ =	shalt  }
0x41: {  	_ =	shalt  }
0x42: {  	_ =	shalt  }
0x43: {  	_ =	shalt  }
0x44: {  	_ =	shalt  }
0x45: {  	_ =	shalt  }
0x46: {  	_ =	shalt  }
0x47: {  	_ =	shalt  }
0x48: {  	_ =	shalt  }
0x49: {  	_ =	shalt  }
0x4a: {  	_ =	shalt  }
0x4b: {  	_ =	shalt  }
0x4c: {  	_ =	shalt  }
0x4d: {  	_ =	shalt  }
0x4e: {  	_ =	shalt  }
0x4f: {  	_ =	shalt  }
0x50: {  	_ =	shalt  }
0x51: {  	_ =	shalt  }
0x52: {  	_ =	shalt  }
0x53: {  	_ =	shalt  }
0x54: {  	_ =	shalt  }
0x55: {  	_ =	shalt  }
0x56: {  	_ =	shalt  }
0x57: {  	_ =	shalt  }
0x58: {  	_ =	shalt  }
0x59: {  	_ =	shalt  }
0x5a: {  	_ =	shalt  }
0x5b: {  	_ =	shalt  }
0x5c: {  	_ =	shalt  }
0x5d: {  	_ =	shalt  }
0x5e: {  	_ =	shalt  }
0x5f: {  	_ =	shalt  }
0x60: {  	_ =	shalt  }
0x61: {  	_ =	shalt  }
0x62: {  	_ =	shalt  }
0x63: {  	_ =	shalt  }
0x64: {  	_ =	shalt  }
0x65: {  	_ =	shalt  }
0x66: {  	_ =	shalt  }
0x67: {  	_ =	shalt  }
0x68: {  	_ =	shalt  }
0x69: {  	_ =	shalt  }
0x6a: {  	_ =	shalt  }
0x6b: {  	_ =	shalt  }
0x6c: {  	_ =	shalt  }
0x6d: {  	_ =	shalt  }
0x6e: {  	_ =	shalt  }
0x6f: {  	_ =	shalt  }
0x70: {  	_ =	shalt  }
0x71: {  	_ =	shalt  }
0x72: {  	_ =	shalt  }
0x73: {  	_ =	shalt  }
0x74: {  	_ =	shalt  }
0x75: {  	_ =	shalt  }
0x76: {  	_ =	shalt  }
0x77: {  	_ =	shalt  }
0x78: {  	_ =	shalt  }
0x79: {  	_ =	shalt  }
0x7a: {  	_ =	shalt  }
0x7b: {  	_ =	shalt  }
0x7c: {  	_ =	shalt  }
0x7d: {  	_ =	shalt  }
0x7e: {  	_ =	shalt  }
0x7f: {  	_ =	shalt  }
0x80: {  	_ =	shalt  }
0x81: {  	_ =	shalt  }
0x82: {  	_ =	shalt  }
0x83: {  	_ =	shalt  }
0x84: {  	_ =	shalt  }
0x85: {  	_ =	shalt  }
0x86: {  	_ =	shalt  }
0x87: {  	_ =	shalt  }
.Lfunc_end0:
.L_simem_size_0:
called_computation.1_lowered:
.L_overlay_start_0:
0x88: {  	s2 =	sld [smem:$0x3FD9]  }
0x89: {  	s3 =	sld [smem:$0x3FFE];
	_ =	sdelay $0x1  }
0x8a: {  	s1 =	srdreg.scid  }
0x8b: {  	s0 =	sand.u32 $0x1, s1  }
0x8c: {  	s17 =	sshll.u32 s0, $0xA;
	s2 =	sadd.s32 s3, s2  }
0x8d: {  	s2 =	sadd.s32 s2, s17  }
0x8e: {  	[smem:$0x3FC2] =	sst s2  }
0x8f: {  	_ = 	snop  }
0x90: {  	s2 =	sld [smem:$0x3FD0];
	(tm) =	ssettm $0x1  }
0x91: {  	s18 =	sld [smem:$0x3FFB];
	_ =	sdelay $0x3  }
0x92: {  	_ =	strace s18  }
0x93: {  	s3 =	sld [smem:$0x3FFC];
	_ =	sdelay $0x3  }
0x94: {  	_ =	strace s3  }
0x95: {  	s3 =	sld [smem:$0x3FFD];
	_ =	sdelay $0x3  }
0x96: {  	_ =	strace s3  }
0x97: {  	_ =	strace $0x8FFFFFFF  }
0x98: {  	s19 =	sld [smem:$0x3FDB];
	_ =	sdelay $0x1  }
0x99: {  	s4 =	simm.s32 $_scs_section_size  }
0x9a: {  	s5 =	simm.s32 $_size__tile_overlayer_lowered;
	s6 =	simm.s32 $_tile_overlayer_lowered  }
0x9b: {  	s22 =	simm.s32 $0x1BFF;
	s21 =	sshll.u32 s6, $0x1;
	s3 =	sadd.s32 s4, s19  }
0x9c: {  	s7 =	simm.s32 $0x0;
	s20 =	sshll.u32 s5, $0x1;
	s5 =	sadd.s32 s21, s3  }
0x9d: {  	[timem:s7], [sflag:s22] =	dma.local [hbm:s5], s20  }
0x9e: {  	_ =	swait.ge [sflag:s22], s20  }
0x9f: {  	s4 =	ssub.s32 $0x0, s20;
	[sflag:s22] =	ssyncset.done $0x0  }
0xa0: {  	[sflag:s22] =	ssyncadd.s32 s4;
	_ =	sdelay $0x1  }
0xa1: {  	s23 =	simm.s32 $0x1B8B  }
0xa2: {  	_ =	swait.ge [sflag:s23], $0x1  }
0xa3: {  	[sflag:s23] =	ssyncset.done $0x0  }
0xa4: {  	s25 =	simm.s32 $0x1B8E;
	s24 =	sld [smem:$0x3FFE];
	[sflag:s23] =	ssyncadd.s32 $0xFFFFFFFF  }
0xa5: {  	s26 =	simm.s32 $execute0_lowered;
	[smem:$0x3FD2] =	sst s25  }
0xa6: {  	s5 =	sshll.u32 s26, $0x1;
	_ =	strace $0x80000049;
	[dreg:$0x1] =	wrdreg $0xFFFFFFFF  }
0xa7: {  	s28 =	simm.s32 $_size_execute0_lowered;
	s3 =	sadd.s32 s3, s5;
	[dreg:$0x0] =	wrdreg $0x0  }
0xa8: {  	s5 =	sshll.u32 s28, $0x1;
	[dreg:$0x2] =	wrdreg s3  }
0xa9: {  	[dreg:$0x3] =	wrdreg s5  }
0xaa: {  	[dreg:$0x4] =	wrdreg $0xC0  }
0xab: {  	_ =	task [dreg:s7], $0x5FFFF  }
0xac: {  	[dreg:$0x1] =	wrdreg $0xFFFFFFFF  }
0xad: {  	[dreg:$0x0] =	wrdreg $0x60  }
0xae: {  	[dreg:$0x2] =	wrdreg s24  }
0xaf: {  	[dreg:$0x3] =	wrdreg s2  }
0xb0: {  	[dreg:$0x4] =	wrdreg $0x0  }
0xb1: {  	[dreg:$0x5] =	wrdreg $0x9  }
0xb2: {  	_ =	task.clear_ibuf [dreg:s7], $0x6FFFF;
	_ =	strace $0x90000049  }
0xb3: {  	s29 =	simm.s32 $0x9;
	_ =	strace $0x8000004B  }
0xb4: {  	_ =	swait.ge [sflag:s29], $0x1  }
0xb5: {  	[sflag:s29] =	ssyncadd.s32 $0xFFFFFFFF  }
0xb6: {  	_ =	strace $0x9000004B  }
0xb7: {  	_ =	sfence  }
0xb8: {  	s30 =	sld [smem:$0x0];
	_ =	sdelay $0x2  }
0xb9: {  	s31 =	sshll.u32 s1, $0xD;
	s1 =	sshrl.u32 s1, $0x2  }
0xba: {  	s3 =	sand.u32 $0x4000, s31;
	s1 =	sadd.s32 s1, s30  }
0xbb: {  	s0 =	sor.u32 s3, s0;
	s1 =	sshll.u32 s1, $0x11  }
0xbc: {  	s0 =	sor.u32 s1, s0  }
0xbd: {  	s0 =	sadd.s32 $0x8F2B, s0  }
0xbe: {  	[sflag:s0] =	ssyncadd.remote.s32 $0x1  }
0xbf: {  	_ =	sfence.sel $0xFFFF  }
0xc0: {  	[dreg:$0x0] =	wrdreg $0xFFFFFFFF;
	(pc) =	sbr.abs _section_cstart, $3  }
0xc1: {  	[dreg:$0x1] =	wrdreg $0xFFFFFFFF  }
0xc2: {  	_ =	task.clear_ibuf [dreg:s7], $0x2FFFF;
	_ =	strace $0x9FFFFFFF  }
0xc3: {  	(tm) =	ssettm $0x7FFFFFFF  }
tec
execute0_lowered:
.L_overlay_start_1:
0x0: {  	(tag) =	ssettag $0x1  }
0x1: {  	s0 =	rddreg [dreg:$0x0]  }
0x2: {  	s1 =	rddreg [dreg:$0x1]  }
0x3: {  	s2 =	rddreg [dreg:$0x2]  }
0x4: {  	s13 =	stileid.u32;
	s4 =	srdreg.scid;
	s3 =	simm.s32 $0x0  }
0x5: {  	s18 =	simm.s32 $0x14000;
	s19 =	simm.s32 $0x14100;
	s20 =	simm.s32 $0x14200  }
0x6: {  	s28 =	simm.s32 $0x1;
	s29 =	simm.s32 $0x14080;
	s30 =	simm.s32 $0x8  }
0x7: {  	s31 =	simm.s32 $0x14300;
	s5 =	smul.u32 $0x14000, s13;
	s6 =	sand.u32 $0x1, s4  }
0x8: {  	[smem:$0x7FF] =	sst s3;
	s4 =	sadd.s32 $0x2400, s0;
	s9 =	smul.u32 $0x50000, s13  }
0x9: {  	s21 =	sshll.u32 s13, $0x1;
	s12 =	smul.u32 $0x9E, s13;
	s23 =	sshll.u32 s13, $0x6  }
0xa: {  	s7 =	smul.u32 $0x140000, s6;
	_ =	strace $0x8000004A;
	s22 =	ssub.s32 $0x2, s6  }
0xb: {  	[dreg:$0x5] =	wrdreg s23;
	s8 =	sshrl.u32 s5, $0x3;
	s11 =	sshrl.u32 s22, $0x1  }
0xc: {  	s9 =	sshrl.u32 s9, $0x2;
	s8 =	sadd.s32 s8, s0;
	s5 =	sadd.s32 s5, s7  }
0xd: {  	s7 =	sor.u32 s6, s21;
	s9 =	sadd.s32 s9, s2;
	s6 =	smul.u32 $0x4F, s6  }
0xe: {  	s21 =	simm.s32 $0x3;
	s5 =	sshrl.u32 s5, $0x3;
	s10 =	smul.u32 $0x4F00, s7  }
0xf: {  	s8 =	sadd.s32 $0x2A400, s8;
	s7 =	smul.u32 $0x9E0, s7;
	s17 =	sshrl.u32 s9, $0x3  }
0x10: {  	s9 =	simm.s32 $0x14380;
	s0 =	sadd.s32 s5, s0;
	s5 =	ssub.s32 s22, s11  }
0x11: {  	[dreg:$0x4] =	wrdreg s8;
	s8 =	sor.u32 $0x1C07, s23;
	s6 =	sadd.s32 s6, s12  }
0x12: {  	s22 =	simm.s32 $0x80;
	s23 =	simm.s32 $0x14400;
	[dreg:$0x6] =	wrdreg s8  }
0x13: {  	s24 =	sshrl.u32 s10, $0x3;
	s7 =	sadd.s32 s1, s7;
	s6 =	sshll.u32 s6, $0x5  }
0x14: {  	s0 =	sadd.s32 $0x52400, s0;
	s26 =	smax.u32 s5, $0x1;
	[dreg:$0x7] =	wrdreg s7  }
0x15: {  	s5 =	simm.s32 $0x14180;
	s25 =	sadd.s32 s1, s24;
	[dreg:$0xa] =	wrdreg s0  }
0x16: {  	s1 =	sadd.s32 s6, s1;
	[dreg:$0xb] =	wrdreg s26;
	s24 =	simm.s32 $0x7  }
0x17: {  	s26 =	simm.s32 $0x18400;
	s0 =	simm.s32 $0x5;
	s6 =	simm.s32 $0x0  }
0x18: {  	s8 =	sadd.s32 $0x20, s25;
	s7 =	sadd.s32 $0x40, s25;
	s13 =	sadd.s32 $0xC0, s1  }
0x19: {  	s14 =	sadd.s32 $0xA0, s1;
	s15 =	sadd.s32 $0x80, s1;
	s16 =	sadd.s32 $0x60, s1  }
0x1a: {  	s25 =	simm.s32 $0x4;
	s1 =	simm.s32 $0x2;
	[dreg:$0x8] =	wrdreg s8  }
0x1b: {  	[dreg:$0x9] =	wrdreg s7;
	s7 =	simm.s32 $0x6;
	s8 =	simm.s32 $0x14280  }
.LBB2_1:
0x1c: {  	s10 =	rddreg [dreg:$0x4]  }
0x1d: {  	s11 =	rddreg [dreg:$0x6]  }
0x1e: {  	[spmem:s17], [sflag:s11] =	dma.local [hbm:s10], $0x2800  }
0x1f: {  	s10 =	rddreg [dreg:$0x7]  }
0x20: {  	[tilespmem:s18], [sflag:$0x3] =	stream.linear.gather [hbm4b:s10+s3], $0x100, $0x38;
	[tilespmem:$0x1C400] =	vst v63  }
0x21: {  	s12 =	rddreg [dreg:$0x8]  }
0x22: {  	[tilespmem:s19], [sflag:$0x4] =	stream.linear.gather [hbm4b:s12+s3], $0x100, $0x38;
	[tilespmem:$0x1C400] =	vst v63  }
0x23: {  	s11 =	rddreg [dreg:$0x9]  }
0x24: {  	[tilespmem:s20], [sflag:$0x5] =	stream.linear.gather [hbm4b:s11+s3], $0x100, $0x38;
	[tilespmem:$0x1C400] =	vst v63  }
0x25: {  	_ =	swait.ge [sflag:s21], $0x100  }
0x26: {  	[sflag:s21] =	ssyncset.done $0x0  }
0x27: {  	[sflag:s21] =	ssyncadd.s32 $0xFFFFFF00  }
0x28: {  	[tilespmem:s23], [sflag:$0x1] =	stream.indirect.gather [hbm4b:s4+s22], $0x80, s18, s22, $0xb8;
	[tilespmem:$0x1C400] =	vst v63  }
0x29: {  	_ =	swait.ge [sflag:s24], $0x2800  }
0x2a: {  	[sflag:s24] =	ssyncset.done $0x0  }
0x2b: {  	[sflag:s24] =	ssyncadd.s32 $0xFFFFD800  }
0x2c: {  	[bflag:$0x0] =	sbarrier.arrive $0xFFFF  }
0x2d: {  	_ =	swait.ge [sflag:s25], $0x100  }
0x2e: {  	[sflag:s25] =	ssyncset.done $0x0  }
0x2f: {  	[sflag:s25] =	ssyncadd.s32 $0xFFFFFF00  }
0x30: {  	[tilespmem:s26], [sflag:$0x2] =	stream.indirect.gather [hbm4b:s4+s22], $0x80, s19, s22, $0xb8;
	[tilespmem:$0x1C400] =	vst v63  }
0x31: {  	_ =	swait.ge [sflag:s28], $0x4000  }
0x32: {  	[sflag:s28] =	ssyncset.done $0x0  }
0x33: {  	[sflag:s28] =	ssyncadd.s32 $0xFFFFC000  }
0x34: {  	[spmem:s2] =	stream.indirect.scatter.add.f32 [tilespmem:s23], [sflag:$0x8], $0x80, s29, s22, $0xb8;
	[tilespmem:$0x1C400] =	vst v63  }
0x35: {  	_ =	swait.ge [sflag:s30], $0x4000  }
0x36: {  	[sflag:s30] =	ssyncset.done $0x0  }
0x37: {  	s12 =	sadd.s32 $0x0, s16;
	[sflag:s30] =	ssyncadd.s32 $0xFFFFC000  }
0x38: {  	[tilespmem:s31], [sflag:$0x6] =	stream.linear.gather [hbm4b:s12+s3], $0x100, $0x38;
	[tilespmem:$0x1C400] =	vst v63  }
0x39: {  	_ =	swait.ge [sflag:s0], $0x100  }
0x3a: {  	[sflag:s0] =	ssyncset.done $0x0  }
0x3b: {  	[sflag:s0] =	ssyncadd.s32 $0xFFFFFF00  }
0x3c: {  	[tilespmem:s23], [sflag:$0x1] =	stream.indirect.gather [hbm4b:s4+s22], $0x80, s20, s22, $0xb8;
	[tilespmem:$0x1C400] =	vst v63  }
0x3d: {  	_ =	swait.ge [sflag:s1], $0x4000  }
0x3e: {  	[sflag:s1] =	ssyncset.done $0x0  }
0x3f: {  	[sflag:s1] =	ssyncadd.s32 $0xFFFFC000  }
0x40: {  	[spmem:s2] =	stream.indirect.scatter.add.f32 [tilespmem:s26], [sflag:$0x8], $0x80, s5, s22, $0xb8;
	[tilespmem:$0x1C400] =	vst v63  }
0x41: {  	_ =	swait.ge [sflag:s30], $0x4000  }
0x42: {  	[sflag:s30] =	ssyncset.done $0x0  }
0x43: {  	s11 =	sadd.s32 $0x0, s15;
	[sflag:s30] =	ssyncadd.s32 $0xFFFFC000  }
0x44: {  	[tilespmem:s18], [sflag:$0x3] =	stream.linear.gather [hbm4b:s11+s3], $0x100, $0x38;
	[tilespmem:$0x1C400] =	vst v63  }
0x45: {  	_ =	swait.ge [sflag:s7], $0x100  }
0x46: {  	[sflag:s7] =	ssyncset.done $0x0  }
0x47: {  	[sflag:s7] =	ssyncadd.s32 $0xFFFFFF00  }
0x48: {  	[tilespmem:s26], [sflag:$0x2] =	stream.indirect.gather [hbm4b:s4+s22], $0x80, s31, s22, $0xb8;
	[tilespmem:$0x1C400] =	vst v63  }
0x49: {  	_ =	swait.ge [sflag:s28], $0x4000  }
0x4a: {  	[sflag:s28] =	ssyncset.done $0x0  }
0x4b: {  	[sflag:s28] =	ssyncadd.s32 $0xFFFFC000  }
0x4c: {  	[spmem:s2] =	stream.indirect.scatter.add.f32 [tilespmem:s23], [sflag:$0x8], $0x80, s8, s22, $0xb8;
	[tilespmem:$0x1C400] =	vst v63  }
0x4d: {  	_ =	swait.ge [sflag:s30], $0x4000  }
0x4e: {  	[sflag:s30] =	ssyncset.done $0x0  }
0x4f: {  	s12 =	sadd.s32 $0x0, s14;
	[sflag:s30] =	ssyncadd.s32 $0xFFFFC000  }
0x50: {  	[tilespmem:s19], [sflag:$0x4] =	stream.linear.gather [hbm4b:s12+s3], $0x100, $0x38;
	[tilespmem:$0x1C400] =	vst v63  }
0x51: {  	_ =	swait.ge [sflag:s21], $0x100  }
0x52: {  	[sflag:s21] =	ssyncset.done $0x0  }
0x53: {  	[sflag:s21] =	ssyncadd.s32 $0xFFFFFF00  }
0x54: {  	[tilespmem:s23], [sflag:$0x1] =	stream.indirect.gather [hbm4b:s4+s22], $0x80, s18, s22, $0xb8;
	[tilespmem:$0x1C400] =	vst v63  }
0x55: {  	_ =	swait.ge [sflag:s1], $0x4000  }
0x56: {  	[sflag:s1] =	ssyncset.done $0x0  }
0x57: {  	[sflag:s1] =	ssyncadd.s32 $0xFFFFC000  }
0x58: {  	[spmem:s2] =	stream.indirect.scatter.add.f32 [tilespmem:s26], [sflag:$0x8], $0x80, s9, s22, $0xb8;
	[tilespmem:$0x1C400] =	vst v63  }
0x59: {  	_ =	swait.ge [sflag:s30], $0x4000  }
0x5a: {  	[sflag:s30] =	ssyncset.done $0x0  }
0x5b: {  	s10 =	simm.s32 $0x80;
	s11 =	sadd.s32 $0x0, s13;
	[sflag:s30] =	ssyncadd.s32 $0xFFFFC000  }
.LBB2_2:
0x5c: {  	[tilespmem:s20], [sflag:$0x5] =	stream.linear.gather [hbm4b:s11+s3], $0x100, $0x38;
	[tilespmem:$0x1C400] =	vst v63  }
0x5d: {  	s11 =	smov.u32 s10  }
0x5e: {  	p0 =	sne.s32 s10, $0x900;
	s10 =	sadd.s32 $0x80, s10;
	_ =	swait.ge [sflag:s25], $0x100  }
0x5f: {  	[sflag:s25] =	ssyncset.done $0x0  }
0x60: {  	[sflag:s25] =	ssyncadd.s32 $0xFFFFFF00  }
0x61: {  	[tilespmem:s26], [sflag:$0x2] =	stream.indirect.gather [hbm4b:s4+s22], $0x80, s19, s22, $0xb8;
	[tilespmem:$0x1C400] =	vst v63  }
0x62: {  	_ =	swait.ge [sflag:s28], $0x4000  }
0x63: {  	[sflag:s28] =	ssyncset.done $0x0  }
0x64: {  	[sflag:s28] =	ssyncadd.s32 $0xFFFFC000  }
0x65: {  	[spmem:s2] =	stream.indirect.scatter.add.f32 [tilespmem:s23], [sflag:$0x8], $0x80, s29, s22, $0xb8;
	[tilespmem:$0x1C400] =	vst v63  }
0x66: {  	_ =	swait.ge [sflag:s30], $0x4000  }
0x67: {  	[sflag:s30] =	ssyncset.done $0x0  }
0x68: {  	s12 =	sadd.s32 s11, s16;
	[sflag:s30] =	ssyncadd.s32 $0xFFFFC000  }
0x69: {  	[tilespmem:s31], [sflag:$0x6] =	stream.linear.gather [hbm4b:s12+s3], $0x100, $0x38;
	[tilespmem:$0x1C400] =	vst v63  }
0x6a: {  	_ =	swait.ge [sflag:s0], $0x100  }
0x6b: {  	[sflag:s0] =	ssyncset.done $0x0  }
0x6c: {  	[sflag:s0] =	ssyncadd.s32 $0xFFFFFF00  }
0x6d: {  	[tilespmem:s23], [sflag:$0x1] =	stream.indirect.gather [hbm4b:s4+s22], $0x80, s20, s22, $0xb8;
	[tilespmem:$0x1C400] =	vst v63  }
0x6e: {  	_ =	swait.ge [sflag:s1], $0x4000  }
0x6f: {  	[sflag:s1] =	ssyncset.done $0x0  }
0x70: {  	[sflag:s1] =	ssyncadd.s32 $0xFFFFC000  }
0x71: {  	[spmem:s2] =	stream.indirect.scatter.add.f32 [tilespmem:s26], [sflag:$0x8], $0x80, s5, s22, $0xb8;
	[tilespmem:$0x1C400] =	vst v63  }
0x72: {  	_ =	swait.ge [sflag:s30], $0x4000  }
0x73: {  	[sflag:s30] =	ssyncset.done $0x0  }
0x74: {  	s12 =	sadd.s32 s11, s15;
	[sflag:s30] =	ssyncadd.s32 $0xFFFFC000  }
0x75: {  	[tilespmem:s18], [sflag:$0x3] =	stream.linear.gather [hbm4b:s12+s3], $0x100, $0x38;
	[tilespmem:$0x1C400] =	vst v63  }
0x76: {  	_ =	swait.ge [sflag:s7], $0x100  }
0x77: {  	[sflag:s7] =	ssyncset.done $0x0  }
0x78: {  	[sflag:s7] =	ssyncadd.s32 $0xFFFFFF00  }
0x79: {  	[tilespmem:s26], [sflag:$0x2] =	stream.indirect.gather [hbm4b:s4+s22], $0x80, s31, s22, $0xb8;
	[tilespmem:$0x1C400] =	vst v63  }
0x7a: {  	_ =	swait.ge [sflag:s28], $0x4000  }
0x7b: {  	[sflag:s28] =	ssyncset.done $0x0  }
0x7c: {  	[sflag:s28] =	ssyncadd.s32 $0xFFFFC000  }
0x7d: {  	[spmem:s2] =	stream.indirect.scatter.add.f32 [tilespmem:s23], [sflag:$0x8], $0x80, s8, s22, $0xb8;
	[tilespmem:$0x1C400] =	vst v63  }
0x7e: {  	_ =	swait.ge [sflag:s30], $0x4000  }
0x7f: {  	[sflag:s30] =	ssyncset.done $0x0  }
0x80: {  	s12 =	sadd.s32 s11, s14;
	[sflag:s30] =	ssyncadd.s32 $0xFFFFC000  }
0x81: {  	[tilespmem:s19], [sflag:$0x4] =	stream.linear.gather [hbm4b:s12+s3], $0x100, $0x38;
	[tilespmem:$0x1C400] =	vst v63  }
0x82: {  	_ =	swait.ge [sflag:s21], $0x100  }
0x83: {  	[sflag:s21] =	ssyncset.done $0x0  }
0x84: {  	[sflag:s21] =	ssyncadd.s32 $0xFFFFFF00  }
0x85: {  	[tilespmem:s23], [sflag:$0x1] =	stream.indirect.gather [hbm4b:s4+s22], $0x80, s18, s22, $0xb8;
	[tilespmem:$0x1C400] =	vst v63  }
0x86: {  	_ =	swait.ge [sflag:s1], $0x4000  }
0x87: {  	[sflag:s1] =	ssyncset.done $0x0  }
.Ltmp0:
0x88: {  	[sflag:s1] =	ssyncadd.s32 $0xFFFFC000;
	(pc) =	sbr.rel @p0 .LBB2_2-.Ltmp0, $4  }
0x89: {  	[spmem:s2] =	stream.indirect.scatter.add.f32 [tilespmem:s26], [sflag:$0x8], $0x80, s9, s22, $0xb8;
	[tilespmem:$0x1C400] =	vst v63  }
0x8a: {  	_ =	swait.ge [sflag:s30], $0x4000  }
0x8b: {  	[sflag:s30] =	ssyncset.done $0x0  }
0x8c: {  	s11 =	sadd.s32 s11, s13;
	[sflag:s30] =	ssyncadd.s32 $0xFFFFC000  }
0x8d: {  	[tilespmem:s20], [sflag:$0x5] =	stream.linear.gather [hbm4b:s11+s3], $0x100, $0x38;
	[tilespmem:$0x1C400] =	vst v63  }
0x8e: {  	_ =	swait.ge [sflag:s25], $0x100  }
0x8f: {  	[sflag:s25] =	ssyncset.done $0x0  }
0x90: {  	[sflag:s25] =	ssyncadd.s32 $0xFFFFFF00  }
0x91: {  	[tilespmem:s26], [sflag:$0x2] =	stream.indirect.gather [hbm4b:s4+s22], $0x80, s19, s22, $0xb8;
	[tilespmem:$0x1C400] =	vst v63  }
0x92: {  	_ =	swait.ge [sflag:s28], $0x4000  }
0x93: {  	[sflag:s28] =	ssyncset.done $0x0  }
0x94: {  	[sflag:s28] =	ssyncadd.s32 $0xFFFFC000  }
0x95: {  	[spmem:s2] =	stream.indirect.scatter.add.f32 [tilespmem:s23], [sflag:$0x8], $0x80, s29, s22, $0xb8;
	[tilespmem:$0x1C400] =	vst v63  }
0x96: {  	_ =	swait.ge [sflag:s30], $0x4000  }
0x97: {  	[sflag:s30] =	ssyncset.done $0x0  }
0x98: {  	[sflag:s30] =	ssyncadd.s32 $0xFFFFC000  }
0x99: {  	_ =	swait.ge [sflag:s0], $0x100  }
0x9a: {  	[sflag:s0] =	ssyncset.done $0x0  }
0x9b: {  	[sflag:s0] =	ssyncadd.s32 $0xFFFFFF00  }
0x9c: {  	[tilespmem:s23], [sflag:$0x1] =	stream.indirect.gather [hbm4b:s4+s22], $0x80, s20, s22, $0xb8;
	[tilespmem:$0x1C400] =	vst v63  }
0x9d: {  	_ =	swait.ge [sflag:s1], $0x4000  }
0x9e: {  	[sflag:s1] =	ssyncset.done $0x0  }
0x9f: {  	[sflag:s1] =	ssyncadd.s32 $0xFFFFC000  }
0xa0: {  	[spmem:s2] =	stream.indirect.scatter.add.f32 [tilespmem:s26], [sflag:$0x8], $0x80, s5, s22, $0xb8;
	[tilespmem:$0x1C400] =	vst v63  }
0xa1: {  	_ =	swait.ge [sflag:s30], $0x4000  }
0xa2: {  	[sflag:s30] =	ssyncset.done $0x0  }
0xa3: {  	[sflag:s30] =	ssyncadd.s32 $0xFFFFC000  }
0xa4: {  	_ =	swait.ge [sflag:s28], $0x4000  }
0xa5: {  	[sflag:s28] =	ssyncset.done $0x0  }
0xa6: {  	[sflag:s28] =	ssyncadd.s32 $0xFFFFC000  }
0xa7: {  	[spmem:s2] =	stream.indirect.scatter.add.f32 [tilespmem:s23], [sflag:$0x8], $0x80, s8, s22, $0xb8;
	[tilespmem:$0x1C400] =	vst v63  }
0xa8: {  	_ =	swait.ge [sflag:s30], $0x4000  }
0xa9: {  	[sflag:s30] =	ssyncset.done $0x0  }
0xaa: {  	[sflag:s30] =	ssyncadd.s32 $0xFFFFC000  }
0xab: {  	[bflag:$0x0] =	sbarrier.arrive $0xFFFF  }
0xac: {  	s10 =	rddreg [dreg:$0x5]  }
0xad: {  	s12 =	rddreg [dreg:$0xa];
	s10 =	sor.u32 $0x1C08, s10  }
0xae: {  	[hbm:s12], [sflag:s10] =	dma.local [spmem:s17], $0x2800  }
0xaf: {  	_ =	swait.ge [sflag:s30], $0x2800  }
0xb0: {  	s6 =	sadd.s32 $0x1, s6;
	s12 =	rddreg [dreg:$0xb]  }
0xb1: {  	p0 =	sne.s32 s6, s12  }
.Ltmp1:
0xb2: {  	_ = 	snop;
	(pc) =	sbr.rel @p0 .LBB2_1-.Ltmp1, $3  }
0xb3: {  	_ =	sdelay $0x1  }
0xb4: {  	[sflag:s30] =	ssyncset.done $0x0  }
0xb5: {  	[sflag:s30] =	ssyncadd.s32 $0xFFFFD800  }
0xb6: {  	_ =	sfence.sel $0x180000  }
0xb7: {  	[bflag:$0x0] =	sbarrier.arrive $0xFFFF  }
0xb8: {  	_ =	strace $0x9000004A  }
0xb9: {  	s0 =	stileid.u32;
	[bflag:$0x2] =	sbarrier.arrive $0xFFFF  }
0xba: {  	p0 =	sne.s32 s0, $0x0;
	s0 =	rddreg [dreg:$0x3]  }
0xbb: {  	s0 =	sadd.s32 @!p0 $0x100000, s0  }
0xbc: {  	[sflag:s0] =	ssyncadd.tile.s32 @!p0 $0x1;
	_ =	shalt  }
.Lfunc_end2:
_tile_overlayer_lowered:
.L_overlay_start_2:
0xbd: {  	(tag) =	ssettag $0x2  }
0xbe: {  	s0 =	rddreg [dreg:$0x0];
	s2 =	stileid.u32  }
0xbf: {  	s1 =	rddreg [dreg:$0x1];
	p0 =	sne.s32 s2, $0x0  }
0xc0: {  	s3 =	rddreg [dreg:$0x2];
	[bflag:$0x3] =	sbarrier.arrive $0xFFFF;
	s2 =	simm.s32 @!p0 $0x1C08  }
0xc1: {  	[timem:s3], [sflag:s2] =	dma.local @!p0 [hbm:s0], s1  }
0xc2: {  	s0 =	simm.s32 @!p0 $0x8  }
0xc3: {  	_ =	swait.ge @!p0 [sflag:s0], s1  }
0xc4: {  	s1 =	ssub.s32 @!p0 $0x0, s1;
	[sflag:s0] =	ssyncset.done @!p0 $0x0  }
0xc5: {  	[sflag:s0] =	ssyncadd.s32 @!p0 s1  }
0xc6: {  	[bflag:$0x3] =	sbarrier.arrive $0xFFFF  }
0xc7: {  	_ =	shalt  }

// kernel: kernel.14.cloned.1.call-start
scs
__scs_entry_jumppad:
0x0: {  	(pc) =	sbr.rel $0x88, $3  }
0x1: {  	(tag) =	ssettag $0x0;
	lr =	simm.s32 $0x1  }
0x2: {  	[smem:$0x3F9B] =	sst lr;
	_ =	strace $0xD0000000  }
0x3: {  	_ = 	snop  }
0x4: {  	_ = 	snop  }
0x5: {  	_ = 	snop  }
0x6: {  	_ = 	snop  }
0x7: {  	_ = 	snop  }
__scs_overlays_trampoline_lowered:
0x8: {  	[smem:$0x3FAA] =	sst s0  }
0x9: {  	[smem:$0x3FAB] =	sst s1  }
0xa: {  	[smem:$0x3FAC] =	sst s2  }
0xb: {  	[smem:$0x3FAD] =	sst s3  }
0xc: {  	[smem:$0x3FAE] =	sst s4  }
0xd: {  	[smem:$0x3FAF] =	sst s5  }
0xe: {  	[smem:$0x3FB0] =	sst s6  }
0xf: {  	[smem:$0x3FB1] =	sst s7  }
0x10: {  	[smem:$0x3FB2] =	sst s8  }
0x11: {  	[smem:$0x3FB3] =	sst s9;
	s0 =	simm.s32 @!p0 $0x0  }
0x12: {  	s1 =	sld [smem:$0x3F99];
	s0 =	simm.s32 @p0 $0x1  }
0x13: {  	[smem:$0x3FB4] =	sst s0;
	s0 =	simm.s32 @!p1 $0x0  }
0x14: {  	s2 =	sld [smem:$0x3F98];
	s0 =	simm.s32 @p1 $0x1  }
0x15: {  	[smem:$0x3FB5] =	sst s0;
	s0 =	simm.s32 @!p2 $0x0  }
0x16: {  	s3 =	sld [smem:$0x3FDB];
	s0 =	simm.s32 @p2 $0x1  }
0x17: {  	s4 =	simm.s32 $0x1BF5;
	[smem:$0x3FB7] =	sst s0  }
0x18: {  	s0 =	sld [smem:$0x3F9A];
	_ =	swait.ge [sflag:s4], $0x0  }
0x19: {  	s7 =	sld [smem:$0x3F9B]  }
0x1a: {  	s8 =	sadd.s32 $0xFFFFE003, lr  }
0x1b: {  	s9 =	sadd.s32 $0xFFFFFEF7, lr;
	s5 =	simm.s32 $0xFFFFFFFF;
	p2 =	slt.u32 s8, $0xFFFFF086  }
0x1c: {  	p1 =	slt.u32 s9, $0xF7A;
	s5 =	simm.s32 @!p2 $0x0  }
0x1d: {  	s5 =	simm.s32 @p1 $0x1;
	p0 =	seq.s32 s7, s2  }
0x1e: {  	s7 =	smul.u32 @!p0 $0xF7A, s2;
	p2 =	seq.s32 @!p0 s5, $0x0  }
0x1f: {  	s9 =	smul.u32 $0xF7A, s1;
	s8 =	simm.s32 @!p0 $0x1BF5;
	p2 =	por !p2, p0  }
0x20: {  	[sflag:s8] =	ssyncset.s32 @!p0 $0xFFFFF086;
	s6 =	sadd.s32 @!p0 s3, s7;
	s7 =	simm.s32 @!p0 $0x108  }
0x21: {  	s3 =	sadd.s32 s3, s9;
	s6 =	sadd.s32 @!p0 $0x88, s6;
	s7 =	simm.s32 @p2 $0x1082  }
0x22: {  	[simem:s7], [sflag:s8] =	dma.local @!p0 [hbm:s6], $0xF7A  }
0x23: {  	s9 =	sor.u32 $0xD0000000, s2;
	s6 =	simm.s32 $0x108;
	_ =	swait.ge @!p0 [sflag:s8], $0x0  }
0x24: {  	s3 =	sadd.s32 $0x88, s3;
	s6 =	simm.s32 @!p1 $0x1082;
	[sflag:s4] =	ssyncset.s32 $0xFFFFF086  }
0x25: {  	[simem:s6], [sflag:s4] =	dma.local [hbm:s3], $0xF7A  }
0x26: {  	[smem:$0x3F9B] =	sst s1;
	(tag) =	ssettag s2;
	_ =	strace s9  }
0x27: {  	s1 =	sld [smem:$0x3FAB]  }
0x28: {  	s2 =	sld [smem:$0x3FAC]  }
0x29: {  	s4 =	sld [smem:$0x3FAE]  }
0x2a: {  	p0 =	seq.s32 s5, $0x0;
	s5 =	sld [smem:$0x3FAF]  }
0x2b: {  	s6 =	sld [smem:$0x3FB0]  }
0x2c: {  	s7 =	sld [smem:$0x3FB1]  }
0x2d: {  	s3 =	simm.s32 $0x108;
	s8 =	sld [smem:$0x3FB2]  }
0x2e: {  	s3 =	simm.s32 @!p0 $0x1082;
	s9 =	sld [smem:$0x3FB3]  }
0x2f: {  	lr =	sadd.s32 s0, s3;
	s0 =	sld [smem:$0x3FAA]  }
0x30: {  	s3 =	sld [smem:$0x3FAD]  }
0x31: {  	[smem:$0x3FB6] =	sst s10  }
0x32: {  	s10 =	sld [smem:$0x3FB4];
	_ =	sdelay $0x3  }
0x33: {  	p0 =	seq.s32 s10, $0x1;
	s10 =	sld [smem:$0x3FB6];
	_ =	sdelay $0x3  }
0x34: {  	[smem:$0x3FB6] =	sst s10  }
0x35: {  	s10 =	sld [smem:$0x3FB5];
	_ =	sdelay $0x3  }
0x36: {  	p1 =	seq.s32 s10, $0x1;
	s10 =	sld [smem:$0x3FB6];
	_ =	sdelay $0x3  }
0x37: {  	[smem:$0x3FB6] =	sst s10  }
0x38: {  	s10 =	sld [smem:$0x3FB7]  }
0x39: {  	_ = 	snop;
	(pc) =	sbr.ind lr, $3  }
0x3a: {  	_ = 	snop  }
0x3b: {  	_ = 	snop  }
0x3c: {  	p2 =	seq.s32 s10, $0x1;
	s10 =	sld [smem:$0x3FB6]  }
0x3d: {  	_ =	shalt  }
0x3e: {  	_ =	shalt  }
0x3f: {  	_ =	shalt  }
0x40: {  	_ =	shalt  }
0x41: {  	_ =	shalt  }
0x42: {  	_ =	shalt  }
0x43: {  	_ =	shalt  }
0x44: {  	_ =	shalt  }
0x45: {  	_ =	shalt  }
0x46: {  	_ =	shalt  }
0x47: {  	_ =	shalt  }
0x48: {  	_ =	shalt  }
0x49: {  	_ =	shalt  }
0x4a: {  	_ =	shalt  }
0x4b: {  	_ =	shalt  }
0x4c: {  	_ =	shalt  }
0x4d: {  	_ =	shalt  }
0x4e: {  	_ =	shalt  }
0x4f: {  	_ =	shalt  }
0x50: {  	_ =	shalt  }
0x51: {  	_ =	shalt  }
0x52: {  	_ =	shalt  }
0x53: {  	_ =	shalt  }
0x54: {  	_ =	shalt  }
0x55: {  	_ =	shalt  }
0x56: {  	_ =	shalt  }
0x57: {  	_ =	shalt  }
0x58: {  	_ =	shalt  }
0x59: {  	_ =	shalt  }
0x5a: {  	_ =	shalt  }
0x5b: {  	_ =	shalt  }
0x5c: {  	_ =	shalt  }
0x5d: {  	_ =	shalt  }
0x5e: {  	_ =	shalt  }
0x5f: {  	_ =	shalt  }
0x60: {  	_ =	shalt  }
0x61: {  	_ =	shalt  }
0x62: {  	_ =	shalt  }
0x63: {  	_ =	shalt  }
0x64: {  	_ =	shalt  }
0x65: {  	_ =	shalt  }
0x66: {  	_ =	shalt  }
0x67: {  	_ =	shalt  }
0x68: {  	_ =	shalt  }
0x69: {  	_ =	shalt  }
0x6a: {  	_ =	shalt  }
0x6b: {  	_ =	shalt  }
0x6c: {  	_ =	shalt  }
0x6d: {  	_ =	shalt  }
0x6e: {  	_ =	shalt  }
0x6f: {  	_ =	shalt  }
0x70: {  	_ =	shalt  }
0x71: {  	_ =	shalt  }
0x72: {  	_ =	shalt  }
0x73: {  	_ =	shalt  }
0x74: {  	_ =	shalt  }
0x75: {  	_ =	shalt  }
0x76: {  	_ =	shalt  }
0x77: {  	_ =	shalt  }
0x78: {  	_ =	shalt  }
0x79: {  	_ =	shalt  }
0x7a: {  	_ =	shalt  }
0x7b: {  	_ =	shalt  }
0x7c: {  	_ =	shalt  }
0x7d: {  	_ =	shalt  }
0x7e: {  	_ =	shalt  }
0x7f: {  	_ =	shalt  }
0x80: {  	_ =	shalt  }
0x81: {  	_ =	shalt  }
0x82: {  	_ =	shalt  }
0x83: {  	_ =	shalt  }
0x84: {  	_ =	shalt  }
0x85: {  	_ =	shalt  }
0x86: {  	_ =	shalt  }
0x87: {  	_ =	shalt  }
.Lfunc_end0:
.L_simem_size_0:
called_computation.2_lowered:
.L_overlay_start_0:
0x88: {  	s2 =	sld [smem:$0x3FD9]  }
0x89: {  	s3 =	sld [smem:$0x3FFE];
	_ =	sdelay $0x1  }
0x8a: {  	s1 =	srdreg.scid  }
0x8b: {  	s0 =	sand.u32 $0x1, s1  }
0x8c: {  	s17 =	sshll.u32 s0, $0xA;
	s2 =	sadd.s32 s3, s2  }
0x8d: {  	s2 =	sadd.s32 s2, s17  }
0x8e: {  	[smem:$0x3FC2] =	sst s2  }
0x8f: {  	_ = 	snop  }
0x90: {  	s2 =	sld [smem:$0x3FD0];
	(tm) =	ssettm $0x1  }
0x91: {  	s18 =	sld [smem:$0x3FFB];
	_ =	sdelay $0x3  }
0x92: {  	_ =	strace s18  }
0x93: {  	s3 =	sld [smem:$0x3FFC];
	_ =	sdelay $0x3  }
0x94: {  	_ =	strace s3  }
0x95: {  	s3 =	sld [smem:$0x3FFD];
	_ =	sdelay $0x3  }
0x96: {  	_ =	strace s3  }
0x97: {  	_ =	strace $0x8FFFFFFF  }
0x98: {  	s19 =	sld [smem:$0x3FDB];
	_ =	sdelay $0x1  }
0x99: {  	s4 =	simm.s32 $_scs_section_size  }
0x9a: {  	s5 =	simm.s32 $_size__tile_overlayer_lowered;
	s6 =	simm.s32 $_tile_overlayer_lowered  }
0x9b: {  	s22 =	simm.s32 $0x1BFF;
	s21 =	sshll.u32 s6, $0x1;
	s3 =	sadd.s32 s4, s19  }
0x9c: {  	s7 =	simm.s32 $0x0;
	s20 =	sshll.u32 s5, $0x1;
	s5 =	sadd.s32 s21, s3  }
0x9d: {  	[timem:s7], [sflag:s22] =	dma.local [hbm:s5], s20  }
0x9e: {  	_ =	swait.ge [sflag:s22], s20  }
0x9f: {  	s4 =	ssub.s32 $0x0, s20;
	[sflag:s22] =	ssyncset.done $0x0  }
0xa0: {  	[sflag:s22] =	ssyncadd.s32 s4;
	_ =	sdelay $0x1  }
0xa1: {  	s23 =	simm.s32 $0x1B8B  }
0xa2: {  	_ =	swait.ge [sflag:s23], $0x1  }
0xa3: {  	[sflag:s23] =	ssyncset.done $0x0  }
0xa4: {  	s25 =	simm.s32 $0x1B8E;
	s24 =	sld [smem:$0x3FFE];
	[sflag:s23] =	ssyncadd.s32 $0xFFFFFFFF  }
0xa5: {  	s26 =	simm.s32 $execute0_lowered;
	[smem:$0x3FD2] =	sst s25  }
0xa6: {  	s5 =	sshll.u32 s26, $0x1;
	_ =	strace $0x8000004C;
	[dreg:$0x1] =	wrdreg $0xFFFFFFFF  }
0xa7: {  	s28 =	simm.s32 $_size_execute0_lowered;
	s3 =	sadd.s32 s3, s5;
	[dreg:$0x0] =	wrdreg $0x0  }
0xa8: {  	s5 =	sshll.u32 s28, $0x1;
	[dreg:$0x2] =	wrdreg s3  }
0xa9: {  	[dreg:$0x3] =	wrdreg s5  }
0xaa: {  	[dreg:$0x4] =	wrdreg $0xC0  }
0xab: {  	_ =	task [dreg:s7], $0x5FFFF  }
0xac: {  	[dreg:$0x1] =	wrdreg $0xFFFFFFFF  }
0xad: {  	[dreg:$0x0] =	wrdreg $0x60  }
0xae: {  	[dreg:$0x2] =	wrdreg s24  }
0xaf: {  	[dreg:$0x3] =	wrdreg s2  }
0xb0: {  	[dreg:$0x4] =	wrdreg $0x0  }
0xb1: {  	[dreg:$0x5] =	wrdreg $0x9  }
0xb2: {  	_ =	task.clear_ibuf [dreg:s7], $0x6FFFF;
	_ =	strace $0x9000004C  }
0xb3: {  	s29 =	simm.s32 $0x9;
	_ =	strace $0x8000004E  }
0xb4: {  	_ =	swait.ge [sflag:s29], $0x1  }
0xb5: {  	[sflag:s29] =	ssyncadd.s32 $0xFFFFFFFF  }
0xb6: {  	_ =	strace $0x9000004E  }
0xb7: {  	_ =	sfence  }
0xb8: {  	s30 =	sld [smem:$0x0];
	_ =	sdelay $0x2  }
0xb9: {  	s31 =	sshll.u32 s1, $0xD;
	s1 =	sshrl.u32 s1, $0x2  }
0xba: {  	s3 =	sand.u32 $0x4000, s31;
	s1 =	sadd.s32 s1, s30  }
0xbb: {  	s0 =	sor.u32 s3, s0;
	s1 =	sshll.u32 s1, $0x11  }
0xbc: {  	s0 =	sor.u32 s1, s0  }
0xbd: {  	s0 =	sadd.s32 $0x8F2B, s0  }
0xbe: {  	[sflag:s0] =	ssyncadd.remote.s32 $0x1  }
0xbf: {  	_ =	sfence.sel $0xFFFF  }
0xc0: {  	[dreg:$0x0] =	wrdreg $0xFFFFFFFF;
	(pc) =	sbr.abs _section_cstart, $3  }
0xc1: {  	[dreg:$0x1] =	wrdreg $0xFFFFFFFF  }
0xc2: {  	_ =	task.clear_ibuf [dreg:s7], $0x2FFFF;
	_ =	strace $0x9FFFFFFF  }
0xc3: {  	(tm) =	ssettm $0x7FFFFFFF  }
tec
execute0_lowered:
.L_overlay_start_1:
0x0: {  	(tag) =	ssettag $0x1  }
0x1: {  	s0 =	rddreg [dreg:$0x0]  }
0x2: {  	s1 =	rddreg [dreg:$0x1]  }
0x3: {  	s2 =	rddreg [dreg:$0x2]  }
0x4: {  	s13 =	stileid.u32;
	s4 =	srdreg.scid;
	s3 =	simm.s32 $0x0  }
0x5: {  	s18 =	simm.s32 $0x14000;
	s19 =	simm.s32 $0x14100;
	s20 =	simm.s32 $0x14200  }
0x6: {  	s28 =	simm.s32 $0x1;
	s29 =	simm.s32 $0x14080;
	s30 =	simm.s32 $0x8  }
0x7: {  	s31 =	simm.s32 $0x14300;
	s5 =	smul.u32 $0x14000, s13;
	s6 =	sand.u32 $0x1, s4  }
0x8: {  	[smem:$0x7FF] =	sst s3;
	s4 =	sadd.s32 $0x2400, s0;
	s9 =	smul.u32 $0x50000, s13  }
0x9: {  	s21 =	sshll.u32 s13, $0x1;
	s12 =	smul.u32 $0x9E, s13;
	s23 =	sshll.u32 s13, $0x6  }
0xa: {  	s7 =	smul.u32 $0x140000, s6;
	_ =	strace $0x8000004D;
	s22 =	ssub.s32 $0x2, s6  }
0xb: {  	[dreg:$0x5] =	wrdreg s23;
	s8 =	sshrl.u32 s5, $0x3;
	s11 =	sshrl.u32 s22, $0x1  }
0xc: {  	s9 =	sshrl.u32 s9, $0x2;
	s8 =	sadd.s32 s8, s0;
	s5 =	sadd.s32 s5, s7  }
0xd: {  	s7 =	sor.u32 s6, s21;
	s9 =	sadd.s32 s9, s2;
	s6 =	smul.u32 $0x4F, s6  }
0xe: {  	s21 =	simm.s32 $0x3;
	s5 =	sshrl.u32 s5, $0x3;
	s10 =	smul.u32 $0x4F00, s7  }
0xf: {  	s8 =	sadd.s32 $0x2A400, s8;
	s7 =	smul.u32 $0x9E0, s7;
	s17 =	sshrl.u32 s9, $0x3  }
0x10: {  	s9 =	simm.s32 $0x14380;
	s0 =	sadd.s32 s5, s0;
	s5 =	ssub.s32 s22, s11  }
0x11: {  	[dreg:$0x4] =	wrdreg s8;
	s8 =	sor.u32 $0x1C07, s23;
	s6 =	sadd.s32 s6, s12  }
0x12: {  	s22 =	simm.s32 $0x80;
	s23 =	simm.s32 $0x14400;
	[dreg:$0x6] =	wrdreg s8  }
0x13: {  	s24 =	sshrl.u32 s10, $0x3;
	s7 =	sadd.s32 s1, s7;
	s6 =	sshll.u32 s6, $0x5  }
0x14: {  	s0 =	sadd.s32 $0x52400, s0;
	s26 =	smax.u32 s5, $0x1;
	[dreg:$0x7] =	wrdreg s7  }
0x15: {  	s5 =	simm.s32 $0x14180;
	s25 =	sadd.s32 s1, s24;
	[dreg:$0xa] =	wrdreg s0  }
0x16: {  	s1 =	sadd.s32 s6, s1;
	[dreg:$0xb] =	wrdreg s26;
	s24 =	simm.s32 $0x7  }
0x17: {  	s26 =	simm.s32 $0x18400;
	s0 =	simm.s32 $0x5;
	s6 =	simm.s32 $0x0  }
0x18: {  	s8 =	sadd.s32 $0x20, s25;
	s7 =	sadd.s32 $0x40, s25;
	s13 =	sadd.s32 $0xC0, s1  }
0x19: {  	s14 =	sadd.s32 $0xA0, s1;
	s15 =	sadd.s32 $0x80, s1;
	s16 =	sadd.s32 $0x60, s1  }
0x1a: {  	s25 =	simm.s32 $0x4;
	s1 =	simm.s32 $0x2;
	[dreg:$0x8] =	wrdreg s8  }
0x1b: {  	[dreg:$0x9] =	wrdreg s7;
	s7 =	simm.s32 $0x6;
	s8 =	simm.s32 $0x14280  }
.LBB2_1:
0x1c: {  	s10 =	rddreg [dreg:$0x4]  }
0x1d: {  	s11 =	rddreg [dreg:$0x6]  }
0x1e: {  	[spmem:s17], [sflag:s11] =	dma.local [hbm:s10], $0x2800  }
0x1f: {  	s10 =	rddreg [dreg:$0x7]  }
0x20: {  	[tilespmem:s18], [sflag:$0x3] =	stream.linear.gather [hbm4b:s10+s3], $0x100, $0x38;
	[tilespmem:$0x1C400] =	vst v63  }
0x21: {  	s12 =	rddreg [dreg:$0x8]  }
0x22: {  	[tilespmem:s19], [sflag:$0x4] =	stream.linear.gather [hbm4b:s12+s3], $0x100, $0x38;
	[tilespmem:$0x1C400] =	vst v63  }
0x23: {  	s11 =	rddreg [dreg:$0x9]  }
0x24: {  	[tilespmem:s20], [sflag:$0x5] =	stream.linear.gather [hbm4b:s11+s3], $0x100, $0x38;
	[tilespmem:$0x1C400] =	vst v63  }
0x25: {  	_ =	swait.ge [sflag:s21], $0x100  }
0x26: {  	[sflag:s21] =	ssyncset.done $0x0  }
0x27: {  	[sflag:s21] =	ssyncadd.s32 $0xFFFFFF00  }
0x28: {  	[tilespmem:s23], [sflag:$0x1] =	stream.indirect.gather [hbm4b:s4+s22], $0x80, s18, s22, $0xb8;
	[tilespmem:$0x1C400] =	vst v63  }
0x29: {  	_ =	swait.ge [sflag:s24], $0x2800  }
0x2a: {  	[sflag:s24] =	ssyncset.done $0x0  }
0x2b: {  	[sflag:s24] =	ssyncadd.s32 $0xFFFFD800  }
0x2c: {  	[bflag:$0x0] =	sbarrier.arrive $0xFFFF  }
0x2d: {  	_ =	swait.ge [sflag:s25], $0x100  }
0x2e: {  	[sflag:s25] =	ssyncset.done $0x0  }
0x2f: {  	[sflag:s25] =	ssyncadd.s32 $0xFFFFFF00  }
0x30: {  	[tilespmem:s26], [sflag:$0x2] =	stream.indirect.gather [hbm4b:s4+s22], $0x80, s19, s22, $0xb8;
	[tilespmem:$0x1C400] =	vst v63  }
0x31: {  	_ =	swait.ge [sflag:s28], $0x4000  }
0x32: {  	[sflag:s28] =	ssyncset.done $0x0  }
0x33: {  	[sflag:s28] =	ssyncadd.s32 $0xFFFFC000  }
0x34: {  	[spmem:s2] =	stream.indirect.scatter.add.f32 [tilespmem:s23], [sflag:$0x8], $0x80, s29, s22, $0xb8;
	[tilespmem:$0x1C400] =	vst v63  }
0x35: {  	_ =	swait.ge [sflag:s30], $0x4000  }
0x36: {  	[sflag:s30] =	ssyncset.done $0x0  }
0x37: {  	s12 =	sadd.s32 $0x0, s16;
	[sflag:s30] =	ssyncadd.s32 $0xFFFFC000  }
0x38: {  	[tilespmem:s31], [sflag:$0x6] =	stream.linear.gather [hbm4b:s12+s3], $0x100, $0x38;
	[tilespmem:$0x1C400] =	vst v63  }
0x39: {  	_ =	swait.ge [sflag:s0], $0x100  }
0x3a: {  	[sflag:s0] =	ssyncset.done $0x0  }
0x3b: {  	[sflag:s0] =	ssyncadd.s32 $0xFFFFFF00  }
0x3c: {  	[tilespmem:s23], [sflag:$0x1] =	stream.indirect.gather [hbm4b:s4+s22], $0x80, s20, s22, $0xb8;
	[tilespmem:$0x1C400] =	vst v63  }
0x3d: {  	_ =	swait.ge [sflag:s1], $0x4000  }
0x3e: {  	[sflag:s1] =	ssyncset.done $0x0  }
0x3f: {  	[sflag:s1] =	ssyncadd.s32 $0xFFFFC000  }
0x40: {  	[spmem:s2] =	stream.indirect.scatter.add.f32 [tilespmem:s26], [sflag:$0x8], $0x80, s5, s22, $0xb8;
	[tilespmem:$0x1C400] =	vst v63  }
0x41: {  	_ =	swait.ge [sflag:s30], $0x4000  }
0x42: {  	[sflag:s30] =	ssyncset.done $0x0  }
0x43: {  	s11 =	sadd.s32 $0x0, s15;
	[sflag:s30] =	ssyncadd.s32 $0xFFFFC000  }
0x44: {  	[tilespmem:s18], [sflag:$0x3] =	stream.linear.gather [hbm4b:s11+s3], $0x100, $0x38;
	[tilespmem:$0x1C400] =	vst v63  }
0x45: {  	_ =	swait.ge [sflag:s7], $0x100  }
0x46: {  	[sflag:s7] =	ssyncset.done $0x0  }
0x47: {  	[sflag:s7] =	ssyncadd.s32 $0xFFFFFF00  }
0x48: {  	[tilespmem:s26], [sflag:$0x2] =	stream.indirect.gather [hbm4b:s4+s22], $0x80, s31, s22, $0xb8;
	[tilespmem:$0x1C400] =	vst v63  }
0x49: {  	_ =	swait.ge [sflag:s28], $0x4000  }
0x4a: {  	[sflag:s28] =	ssyncset.done $0x0  }
0x4b: {  	[sflag:s28] =	ssyncadd.s32 $0xFFFFC000  }
0x4c: {  	[spmem:s2] =	stream.indirect.scatter.add.f32 [tilespmem:s23], [sflag:$0x8], $0x80, s8, s22, $0xb8;
	[tilespmem:$0x1C400] =	vst v63  }
0x4d: {  	_ =	swait.ge [sflag:s30], $0x4000  }
0x4e: {  	[sflag:s30] =	ssyncset.done $0x0  }
0x4f: {  	s12 =	sadd.s32 $0x0, s14;
	[sflag:s30] =	ssyncadd.s32 $0xFFFFC000  }
0x50: {  	[tilespmem:s19], [sflag:$0x4] =	stream.linear.gather [hbm4b:s12+s3], $0x100, $0x38;
	[tilespmem:$0x1C400] =	vst v63  }
0x51: {  	_ =	swait.ge [sflag:s21], $0x100  }
0x52: {  	[sflag:s21] =	ssyncset.done $0x0  }
0x53: {  	[sflag:s21] =	ssyncadd.s32 $0xFFFFFF00  }
0x54: {  	[tilespmem:s23], [sflag:$0x1] =	stream.indirect.gather [hbm4b:s4+s22], $0x80, s18, s22, $0xb8;
	[tilespmem:$0x1C400] =	vst v63  }
0x55: {  	_ =	swait.ge [sflag:s1], $0x4000  }
0x56: {  	[sflag:s1] =	ssyncset.done $0x0  }
0x57: {  	[sflag:s1] =	ssyncadd.s32 $0xFFFFC000  }
0x58: {  	[spmem:s2] =	stream.indirect.scatter.add.f32 [tilespmem:s26], [sflag:$0x8], $0x80, s9, s22, $0xb8;
	[tilespmem:$0x1C400] =	vst v63  }
0x59: {  	_ =	swait.ge [sflag:s30], $0x4000  }
0x5a: {  	[sflag:s30] =	ssyncset.done $0x0  }
0x5b: {  	s10 =	simm.s32 $0x80;
	s11 =	sadd.s32 $0x0, s13;
	[sflag:s30] =	ssyncadd.s32 $0xFFFFC000  }
.LBB2_2:
0x5c: {  	[tilespmem:s20], [sflag:$0x5] =	stream.linear.gather [hbm4b:s11+s3], $0x100, $0x38;
	[tilespmem:$0x1C400] =	vst v63  }
0x5d: {  	s11 =	smov.u32 s10  }
0x5e: {  	p0 =	sne.s32 s10, $0x900;
	s10 =	sadd.s32 $0x80, s10;
	_ =	swait.ge [sflag:s25], $0x100  }
0x5f: {  	[sflag:s25] =	ssyncset.done $0x0  }
0x60: {  	[sflag:s25] =	ssyncadd.s32 $0xFFFFFF00  }
0x61: {  	[tilespmem:s26], [sflag:$0x2] =	stream.indirect.gather [hbm4b:s4+s22], $0x80, s19, s22, $0xb8;
	[tilespmem:$0x1C400] =	vst v63  }
0x62: {  	_ =	swait.ge [sflag:s28], $0x4000  }
0x63: {  	[sflag:s28] =	ssyncset.done $0x0  }
0x64: {  	[sflag:s28] =	ssyncadd.s32 $0xFFFFC000  }
0x65: {  	[spmem:s2] =	stream.indirect.scatter.add.f32 [tilespmem:s23], [sflag:$0x8], $0x80, s29, s22, $0xb8;
	[tilespmem:$0x1C400] =	vst v63  }
0x66: {  	_ =	swait.ge [sflag:s30], $0x4000  }
0x67: {  	[sflag:s30] =	ssyncset.done $0x0  }
0x68: {  	s12 =	sadd.s32 s11, s16;
	[sflag:s30] =	ssyncadd.s32 $0xFFFFC000  }
0x69: {  	[tilespmem:s31], [sflag:$0x6] =	stream.linear.gather [hbm4b:s12+s3], $0x100, $0x38;
	[tilespmem:$0x1C400] =	vst v63  }
0x6a: {  	_ =	swait.ge [sflag:s0], $0x100  }
0x6b: {  	[sflag:s0] =	ssyncset.done $0x0  }
0x6c: {  	[sflag:s0] =	ssyncadd.s32 $0xFFFFFF00  }
0x6d: {  	[tilespmem:s23], [sflag:$0x1] =	stream.indirect.gather [hbm4b:s4+s22], $0x80, s20, s22, $0xb8;
	[tilespmem:$0x1C400] =	vst v63  }
0x6e: {  	_ =	swait.ge [sflag:s1], $0x4000  }
0x6f: {  	[sflag:s1] =	ssyncset.done $0x0  }
0x70: {  	[sflag:s1] =	ssyncadd.s32 $0xFFFFC000  }
0x71: {  	[spmem:s2] =	stream.indirect.scatter.add.f32 [tilespmem:s26], [sflag:$0x8], $0x80, s5, s22, $0xb8;
	[tilespmem:$0x1C400] =	vst v63  }
0x72: {  	_ =	swait.ge [sflag:s30], $0x4000  }
0x73: {  	[sflag:s30] =	ssyncset.done $0x0  }
0x74: {  	s12 =	sadd.s32 s11, s15;
	[sflag:s30] =	ssyncadd.s32 $0xFFFFC000  }
0x75: {  	[tilespmem:s18], [sflag:$0x3] =	stream.linear.gather [hbm4b:s12+s3], $0x100, $0x38;
	[tilespmem:$0x1C400] =	vst v63  }
0x76: {  	_ =	swait.ge [sflag:s7], $0x100  }
0x77: {  	[sflag:s7] =	ssyncset.done $0x0  }
0x78: {  	[sflag:s7] =	ssyncadd.s32 $0xFFFFFF00  }
0x79: {  	[tilespmem:s26], [sflag:$0x2] =	stream.indirect.gather [hbm4b:s4+s22], $0x80, s31, s22, $0xb8;
	[tilespmem:$0x1C400] =	vst v63  }
0x7a: {  	_ =	swait.ge [sflag:s28], $0x4000  }
0x7b: {  	[sflag:s28] =	ssyncset.done $0x0  }
0x7c: {  	[sflag:s28] =	ssyncadd.s32 $0xFFFFC000  }
0x7d: {  	[spmem:s2] =	stream.indirect.scatter.add.f32 [tilespmem:s23], [sflag:$0x8], $0x80, s8, s22, $0xb8;
	[tilespmem:$0x1C400] =	vst v63  }
0x7e: {  	_ =	swait.ge [sflag:s30], $0x4000  }
0x7f: {  	[sflag:s30] =	ssyncset.done $0x0  }
0x80: {  	s12 =	sadd.s32 s11, s14;
	[sflag:s30] =	ssyncadd.s32 $0xFFFFC000  }
0x81: {  	[tilespmem:s19], [sflag:$0x4] =	stream.linear.gather [hbm4b:s12+s3], $0x100, $0x38;
	[tilespmem:$0x1C400] =	vst v63  }
0x82: {  	_ =	swait.ge [sflag:s21], $0x100  }
0x83: {  	[sflag:s21] =	ssyncset.done $0x0  }
0x84: {  	[sflag:s21] =	ssyncadd.s32 $0xFFFFFF00  }
0x85: {  	[tilespmem:s23], [sflag:$0x1] =	stream.indirect.gather [hbm4b:s4+s22], $0x80, s18, s22, $0xb8;
	[tilespmem:$0x1C400] =	vst v63  }
0x86: {  	_ =	swait.ge [sflag:s1], $0x4000  }
0x87: {  	[sflag:s1] =	ssyncset.done $0x0  }
.Ltmp0:
0x88: {  	[sflag:s1] =	ssyncadd.s32 $0xFFFFC000;
	(pc) =	sbr.rel @p0 .LBB2_2-.Ltmp0, $4  }
0x89: {  	[spmem:s2] =	stream.indirect.scatter.add.f32 [tilespmem:s26], [sflag:$0x8], $0x80, s9, s22, $0xb8;
	[tilespmem:$0x1C400] =	vst v63  }
0x8a: {  	_ =	swait.ge [sflag:s30], $0x4000  }
0x8b: {  	[sflag:s30] =	ssyncset.done $0x0  }
0x8c: {  	s11 =	sadd.s32 s11, s13;
	[sflag:s30] =	ssyncadd.s32 $0xFFFFC000  }
0x8d: {  	[tilespmem:s20], [sflag:$0x5] =	stream.linear.gather [hbm4b:s11+s3], $0x100, $0x38;
	[tilespmem:$0x1C400] =	vst v63  }
0x8e: {  	_ =	swait.ge [sflag:s25], $0x100  }
0x8f: {  	[sflag:s25] =	ssyncset.done $0x0  }
0x90: {  	[sflag:s25] =	ssyncadd.s32 $0xFFFFFF00  }
0x91: {  	[tilespmem:s26], [sflag:$0x2] =	stream.indirect.gather [hbm4b:s4+s22], $0x80, s19, s22, $0xb8;
	[tilespmem:$0x1C400] =	vst v63  }
0x92: {  	_ =	swait.ge [sflag:s28], $0x4000  }
0x93: {  	[sflag:s28] =	ssyncset.done $0x0  }
0x94: {  	[sflag:s28] =	ssyncadd.s32 $0xFFFFC000  }
0x95: {  	[spmem:s2] =	stream.indirect.scatter.add.f32 [tilespmem:s23], [sflag:$0x8], $0x80, s29, s22, $0xb8;
	[tilespmem:$0x1C400] =	vst v63  }
0x96: {  	_ =	swait.ge [sflag:s30], $0x4000  }
0x97: {  	[sflag:s30] =	ssyncset.done $0x0  }
0x98: {  	[sflag:s30] =	ssyncadd.s32 $0xFFFFC000  }
0x99: {  	_ =	swait.ge [sflag:s0], $0x100  }
0x9a: {  	[sflag:s0] =	ssyncset.done $0x0  }
0x9b: {  	[sflag:s0] =	ssyncadd.s32 $0xFFFFFF00  }
0x9c: {  	[tilespmem:s23], [sflag:$0x1] =	stream.indirect.gather [hbm4b:s4+s22], $0x80, s20, s22, $0xb8;
	[tilespmem:$0x1C400] =	vst v63  }
0x9d: {  	_ =	swait.ge [sflag:s1], $0x4000  }
0x9e: {  	[sflag:s1] =	ssyncset.done $0x0  }
0x9f: {  	[sflag:s1] =	ssyncadd.s32 $0xFFFFC000  }
0xa0: {  	[spmem:s2] =	stream.indirect.scatter.add.f32 [tilespmem:s26], [sflag:$0x8], $0x80, s5, s22, $0xb8;
	[tilespmem:$0x1C400] =	vst v63  }
0xa1: {  	_ =	swait.ge [sflag:s30], $0x4000  }
0xa2: {  	[sflag:s30] =	ssyncset.done $0x0  }
0xa3: {  	[sflag:s30] =	ssyncadd.s32 $0xFFFFC000  }
0xa4: {  	_ =	swait.ge [sflag:s28], $0x4000  }
0xa5: {  	[sflag:s28] =	ssyncset.done $0x0  }
0xa6: {  	[sflag:s28] =	ssyncadd.s32 $0xFFFFC000  }
0xa7: {  	[spmem:s2] =	stream.indirect.scatter.add.f32 [tilespmem:s23], [sflag:$0x8], $0x80, s8, s22, $0xb8;
	[tilespmem:$0x1C400] =	vst v63  }
0xa8: {  	_ =	swait.ge [sflag:s30], $0x4000  }
0xa9: {  	[sflag:s30] =	ssyncset.done $0x0  }
0xaa: {  	[sflag:s30] =	ssyncadd.s32 $0xFFFFC000  }
0xab: {  	[bflag:$0x0] =	sbarrier.arrive $0xFFFF  }
0xac: {  	s10 =	rddreg [dreg:$0x5]  }
0xad: {  	s12 =	rddreg [dreg:$0xa];
	s10 =	sor.u32 $0x1C08, s10  }
0xae: {  	[hbm:s12], [sflag:s10] =	dma.local [spmem:s17], $0x2800  }
0xaf: {  	_ =	swait.ge [sflag:s30], $0x2800  }
0xb0: {  	s6 =	sadd.s32 $0x1, s6;
	s12 =	rddreg [dreg:$0xb]  }
0xb1: {  	p0 =	sne.s32 s6, s12  }
.Ltmp1:
0xb2: {  	_ = 	snop;
	(pc) =	sbr.rel @p0 .LBB2_1-.Ltmp1, $3  }
0xb3: {  	_ =	sdelay $0x1  }
0xb4: {  	[sflag:s30] =	ssyncset.done $0x0  }
0xb5: {  	[sflag:s30] =	ssyncadd.s32 $0xFFFFD800  }
0xb6: {  	_ =	sfence.sel $0x180000  }
0xb7: {  	[bflag:$0x0] =	sbarrier.arrive $0xFFFF  }
0xb8: {  	_ =	strace $0x9000004D  }
0xb9: {  	s0 =	stileid.u32;
	[bflag:$0x2] =	sbarrier.arrive $0xFFFF  }
0xba: {  	p0 =	sne.s32 s0, $0x0;
	s0 =	rddreg [dreg:$0x3]  }
0xbb: {  	s0 =	sadd.s32 @!p0 $0x100000, s0  }
0xbc: {  	[sflag:s0] =	ssyncadd.tile.s32 @!p0 $0x1;
	_ =	shalt  }
.Lfunc_end2:
_tile_overlayer_lowered:
.L_overlay_start_2:
0xbd: {  	(tag) =	ssettag $0x2  }
0xbe: {  	s0 =	rddreg [dreg:$0x0];
	s2 =	stileid.u32  }
0xbf: {  	s1 =	rddreg [dreg:$0x1];
	p0 =	sne.s32 s2, $0x0  }
0xc0: {  	s3 =	rddreg [dreg:$0x2];
	[bflag:$0x3] =	sbarrier.arrive $0xFFFF;
	s2 =	simm.s32 @!p0 $0x1C08  }
0xc1: {  	[timem:s3], [sflag:s2] =	dma.local @!p0 [hbm:s0], s1  }
0xc2: {  	s0 =	simm.s32 @!p0 $0x8  }
0xc3: {  	_ =	swait.ge @!p0 [sflag:s0], s1  }
0xc4: {  	s1 =	ssub.s32 @!p0 $0x0, s1;
	[sflag:s0] =	ssyncset.done @!p0 $0x0  }
0xc5: {  	[sflag:s0] =	ssyncadd.s32 @!p0 s1  }
0xc6: {  	[bflag:$0x3] =	sbarrier.arrive $0xFFFF  }
0xc7: {  	_ =	shalt  }

// kernel: kernel.8.cloned.1.call-start
scs
__scs_entry_jumppad:
0x0: {  	(pc) =	sbr.rel $0x88, $3  }
0x1: {  	(tag) =	ssettag $0x0;
	lr =	simm.s32 $0x1  }
0x2: {  	[smem:$0x3F9B] =	sst lr;
	_ =	strace $0xD0000000  }
0x3: {  	_ = 	snop  }
0x4: {  	_ = 	snop  }
0x5: {  	_ = 	snop  }
0x6: {  	_ = 	snop  }
0x7: {  	_ = 	snop  }
__scs_overlays_trampoline_lowered:
0x8: {  	[smem:$0x3FAA] =	sst s0  }
0x9: {  	[smem:$0x3FAB] =	sst s1  }
0xa: {  	[smem:$0x3FAC] =	sst s2  }
0xb: {  	[smem:$0x3FAD] =	sst s3  }
0xc: {  	[smem:$0x3FAE] =	sst s4  }
0xd: {  	[smem:$0x3FAF] =	sst s5  }
0xe: {  	[smem:$0x3FB0] =	sst s6  }
0xf: {  	[smem:$0x3FB1] =	sst s7  }
0x10: {  	[smem:$0x3FB2] =	sst s8  }
0x11: {  	[smem:$0x3FB3] =	sst s9;
	s0 =	simm.s32 @!p0 $0x0  }
0x12: {  	s1 =	sld [smem:$0x3F99];
	s0 =	simm.s32 @p0 $0x1  }
0x13: {  	[smem:$0x3FB4] =	sst s0;
	s0 =	simm.s32 @!p1 $0x0  }
0x14: {  	s2 =	sld [smem:$0x3F98];
	s0 =	simm.s32 @p1 $0x1  }
0x15: {  	[smem:$0x3FB5] =	sst s0;
	s0 =	simm.s32 @!p2 $0x0  }
0x16: {  	s3 =	sld [smem:$0x3FDB];
	s0 =	simm.s32 @p2 $0x1  }
0x17: {  	s4 =	simm.s32 $0x1BF5;
	[smem:$0x3FB7] =	sst s0  }
0x18: {  	s0 =	sld [smem:$0x3F9A];
	_ =	swait.ge [sflag:s4], $0x0  }
0x19: {  	s7 =	sld [smem:$0x3F9B]  }
0x1a: {  	s8 =	sadd.s32 $0xFFFFE003, lr  }
0x1b: {  	s9 =	sadd.s32 $0xFFFFFEF7, lr;
	s5 =	simm.s32 $0xFFFFFFFF;
	p2 =	slt.u32 s8, $0xFFFFF086  }
0x1c: {  	p1 =	slt.u32 s9, $0xF7A;
	s5 =	simm.s32 @!p2 $0x0  }
0x1d: {  	s5 =	simm.s32 @p1 $0x1;
	p0 =	seq.s32 s7, s2  }
0x1e: {  	s7 =	smul.u32 @!p0 $0xF7A, s2;
	p2 =	seq.s32 @!p0 s5, $0x0  }
0x1f: {  	s9 =	smul.u32 $0xF7A, s1;
	s8 =	simm.s32 @!p0 $0x1BF5;
	p2 =	por !p2, p0  }
0x20: {  	[sflag:s8] =	ssyncset.s32 @!p0 $0xFFFFF086;
	s6 =	sadd.s32 @!p0 s3, s7;
	s7 =	simm.s32 @!p0 $0x108  }
0x21: {  	s3 =	sadd.s32 s3, s9;
	s6 =	sadd.s32 @!p0 $0x88, s6;
	s7 =	simm.s32 @p2 $0x1082  }
0x22: {  	[simem:s7], [sflag:s8] =	dma.local @!p0 [hbm:s6], $0xF7A  }
0x23: {  	s9 =	sor.u32 $0xD0000000, s2;
	s6 =	simm.s32 $0x108;
	_ =	swait.ge @!p0 [sflag:s8], $0x0  }
0x24: {  	s3 =	sadd.s32 $0x88, s3;
	s6 =	simm.s32 @!p1 $0x1082;
	[sflag:s4] =	ssyncset.s32 $0xFFFFF086  }
0x25: {  	[simem:s6], [sflag:s4] =	dma.local [hbm:s3], $0xF7A  }
0x26: {  	[smem:$0x3F9B] =	sst s1;
	(tag) =	ssettag s2;
	_ =	strace s9  }
0x27: {  	s1 =	sld [smem:$0x3FAB]  }
0x28: {  	s2 =	sld [smem:$0x3FAC]  }
0x29: {  	s4 =	sld [smem:$0x3FAE]  }
0x2a: {  	p0 =	seq.s32 s5, $0x0;
	s5 =	sld [smem:$0x3FAF]  }
0x2b: {  	s6 =	sld [smem:$0x3FB0]  }
0x2c: {  	s7 =	sld [smem:$0x3FB1]  }
0x2d: {  	s3 =	simm.s32 $0x108;
	s8 =	sld [smem:$0x3FB2]  }
0x2e: {  	s3 =	simm.s32 @!p0 $0x1082;
	s9 =	sld [smem:$0x3FB3]  }
0x2f: {  	lr =	sadd.s32 s0, s3;
	s0 =	sld [smem:$0x3FAA]  }
0x30: {  	s3 =	sld [smem:$0x3FAD]  }
0x31: {  	[smem:$0x3FB6] =	sst s10  }
0x32: {  	s10 =	sld [smem:$0x3FB4];
	_ =	sdelay $0x3  }
0x33: {  	p0 =	seq.s32 s10, $0x1;
	s10 =	sld [smem:$0x3FB6];
	_ =	sdelay $0x3  }
0x34: {  	[smem:$0x3FB6] =	sst s10  }
0x35: {  	s10 =	sld [smem:$0x3FB5];
	_ =	sdelay $0x3  }
0x36: {  	p1 =	seq.s32 s10, $0x1;
	s10 =	sld [smem:$0x3FB6];
	_ =	sdelay $0x3  }
0x37: {  	[smem:$0x3FB6] =	sst s10  }
0x38: {  	s10 =	sld [smem:$0x3FB7]  }
0x39: {  	_ = 	snop;
	(pc) =	sbr.ind lr, $3  }
0x3a: {  	_ = 	snop  }
0x3b: {  	_ = 	snop  }
0x3c: {  	p2 =	seq.s32 s10, $0x1;
	s10 =	sld [smem:$0x3FB6]  }
0x3d: {  	_ =	shalt  }
0x3e: {  	_ =	shalt  }
0x3f: {  	_ =	shalt  }
0x40: {  	_ =	shalt  }
0x41: {  	_ =	shalt  }
0x42: {  	_ =	shalt  }
0x43: {  	_ =	shalt  }
0x44: {  	_ =	shalt  }
0x45: {  	_ =	shalt  }
0x46: {  	_ =	shalt  }
0x47: {  	_ =	shalt  }
0x48: {  	_ =	shalt  }
0x49: {  	_ =	shalt  }
0x4a: {  	_ =	shalt  }
0x4b: {  	_ =	shalt  }
0x4c: {  	_ =	shalt  }
0x4d: {  	_ =	shalt  }
0x4e: {  	_ =	shalt  }
0x4f: {  	_ =	shalt  }
0x50: {  	_ =	shalt  }
0x51: {  	_ =	shalt  }
0x52: {  	_ =	shalt  }
0x53: {  	_ =	shalt  }
0x54: {  	_ =	shalt  }
0x55: {  	_ =	shalt  }
0x56: {  	_ =	shalt  }
0x57: {  	_ =	shalt  }
0x58: {  	_ =	shalt  }
0x59: {  	_ =	shalt  }
0x5a: {  	_ =	shalt  }
0x5b: {  	_ =	shalt  }
0x5c: {  	_ =	shalt  }
0x5d: {  	_ =	shalt  }
0x5e: {  	_ =	shalt  }
0x5f: {  	_ =	shalt  }
0x60: {  	_ =	shalt  }
0x61: {  	_ =	shalt  }
0x62: {  	_ =	shalt  }
0x63: {  	_ =	shalt  }
0x64: {  	_ =	shalt  }
0x65: {  	_ =	shalt  }
0x66: {  	_ =	shalt  }
0x67: {  	_ =	shalt  }
0x68: {  	_ =	shalt  }
0x69: {  	_ =	shalt  }
0x6a: {  	_ =	shalt  }
0x6b: {  	_ =	shalt  }
0x6c: {  	_ =	shalt  }
0x6d: {  	_ =	shalt  }
0x6e: {  	_ =	shalt  }
0x6f: {  	_ =	shalt  }
0x70: {  	_ =	shalt  }
0x71: {  	_ =	shalt  }
0x72: {  	_ =	shalt  }
0x73: {  	_ =	shalt  }
0x74: {  	_ =	shalt  }
0x75: {  	_ =	shalt  }
0x76: {  	_ =	shalt  }
0x77: {  	_ =	shalt  }
0x78: {  	_ =	shalt  }
0x79: {  	_ =	shalt  }
0x7a: {  	_ =	shalt  }
0x7b: {  	_ =	shalt  }
0x7c: {  	_ =	shalt  }
0x7d: {  	_ =	shalt  }
0x7e: {  	_ =	shalt  }
0x7f: {  	_ =	shalt  }
0x80: {  	_ =	shalt  }
0x81: {  	_ =	shalt  }
0x82: {  	_ =	shalt  }
0x83: {  	_ =	shalt  }
0x84: {  	_ =	shalt  }
0x85: {  	_ =	shalt  }
0x86: {  	_ =	shalt  }
0x87: {  	_ =	shalt  }
.Lfunc_end0:
.L_simem_size_0:
called_computation_lowered:
.L_overlay_start_0:
0x88: {  	s2 =	sld [smem:$0x3FD9]  }
0x89: {  	s3 =	sld [smem:$0x3FFE];
	_ =	sdelay $0x1  }
0x8a: {  	s1 =	srdreg.scid  }
0x8b: {  	s0 =	sand.u32 $0x1, s1  }
0x8c: {  	s16 =	sshll.u32 s0, $0xA;
	s2 =	sadd.s32 s3, s2  }
0x8d: {  	s2 =	sadd.s32 s2, s16  }
0x8e: {  	[smem:$0x3FC2] =	sst s2  }
0x8f: {  	_ = 	snop  }
0x90: {  	(tm) =	ssettm $0x1  }
0x91: {  	s17 =	sld [smem:$0x3FFB];
	_ =	sdelay $0x3  }
0x92: {  	_ =	strace s17  }
0x93: {  	s2 =	sld [smem:$0x3FFC];
	_ =	sdelay $0x3  }
0x94: {  	_ =	strace s2  }
0x95: {  	s2 =	sld [smem:$0x3FFD];
	_ =	sdelay $0x3  }
0x96: {  	_ =	strace s2  }
0x97: {  	_ =	strace $0x8FFFFFFF  }
0x98: {  	s18 =	sld [smem:$0x3FDB];
	_ =	sdelay $0x1  }
0x99: {  	s19 =	simm.s32 $_scs_section_size  }
0x9a: {  	s4 =	simm.s32 $_size__tile_overlayer_lowered;
	s5 =	simm.s32 $_tile_overlayer_lowered  }
0x9b: {  	s22 =	simm.s32 $0x1BFF;
	s21 =	sshll.u32 s5, $0x1;
	s2 =	sadd.s32 s19, s18  }
0x9c: {  	s6 =	simm.s32 $0x0;
	s20 =	sshll.u32 s4, $0x1;
	s4 =	sadd.s32 s21, s2  }
0x9d: {  	[timem:s6], [sflag:s22] =	dma.local [hbm:s4], s20  }
0x9e: {  	_ =	swait.ge [sflag:s22], s20  }
0x9f: {  	s3 =	ssub.s32 $0x0, s20;
	[sflag:s22] =	ssyncset.done $0x0  }
0xa0: {  	[sflag:s22] =	ssyncadd.s32 s3;
	_ =	sdelay $0x1  }
0xa1: {  	s23 =	simm.s32 $0x1B8B  }
0xa2: {  	_ =	swait.ge [sflag:s23], $0x1  }
0xa3: {  	[sflag:s23] =	ssyncset.done $0x0  }
0xa4: {  	s25 =	simm.s32 $0x1B8E;
	s24 =	sld [smem:$0x3FFE];
	[sflag:s23] =	ssyncadd.s32 $0xFFFFFFFF  }
0xa5: {  	s26 =	simm.s32 $execute0_lowered;
	[smem:$0x3FD2] =	sst s25  }
0xa6: {  	s4 =	sshll.u32 s26, $0x1;
	_ =	strace $0x80000046;
	[dreg:$0x1] =	wrdreg $0xFFFFFFFF  }
0xa7: {  	s28 =	simm.s32 $_size_execute0_lowered;
	s2 =	sadd.s32 s2, s4;
	[dreg:$0x0] =	wrdreg $0x0  }
0xa8: {  	s4 =	sshll.u32 s28, $0x1;
	[dreg:$0x2] =	wrdreg s2  }
0xa9: {  	[dreg:$0x3] =	wrdreg s4  }
0xaa: {  	[dreg:$0x4] =	wrdreg $0xC0  }
0xab: {  	_ =	task [dreg:s6], $0x5FFFF  }
0xac: {  	[dreg:$0x1] =	wrdreg $0xFFFFFFFF  }
0xad: {  	[dreg:$0x0] =	wrdreg $0x60  }
0xae: {  	[dreg:$0x2] =	wrdreg s24  }
0xaf: {  	[dreg:$0x3] =	wrdreg $0x9  }
0xb0: {  	_ =	task.clear_ibuf [dreg:s6], $0x4FFFF;
	_ =	strace $0x90000046  }
0xb1: {  	s29 =	simm.s32 $0x9;
	_ =	strace $0x80000048  }
0xb2: {  	_ =	swait.ge [sflag:s29], $0x1  }
0xb3: {  	[sflag:s29] =	ssyncadd.s32 $0xFFFFFFFF  }
0xb4: {  	_ =	strace $0x90000048  }
0xb5: {  	_ =	sfence  }
0xb6: {  	s30 =	sld [smem:$0x0];
	_ =	sdelay $0x2  }
0xb7: {  	s31 =	sshll.u32 s1, $0xD;
	s1 =	sshrl.u32 s1, $0x2  }
0xb8: {  	s3 =	sand.u32 $0x4000, s31;
	s1 =	sadd.s32 s1, s30  }
0xb9: {  	s0 =	sor.u32 s3, s0;
	s1 =	sshll.u32 s1, $0x11  }
0xba: {  	s0 =	sor.u32 s1, s0  }
0xbb: {  	s0 =	sadd.s32 $0x8F2B, s0  }
0xbc: {  	[sflag:s0] =	ssyncadd.remote.s32 $0x1  }
0xbd: {  	_ =	sfence.sel $0xFFFF  }
0xbe: {  	[dreg:$0x0] =	wrdreg $0xFFFFFFFF;
	(pc) =	sbr.abs _section_cstart, $3  }
0xbf: {  	[dreg:$0x1] =	wrdreg $0xFFFFFFFF  }
0xc0: {  	_ =	task.clear_ibuf [dreg:s6], $0x2FFFF;
	_ =	strace $0x9FFFFFFF  }
0xc1: {  	(tm) =	ssettm $0x7FFFFFFF  }
tec
execute0_lowered:
.L_overlay_start_1:
0x0: {  	(tag) =	ssettag $0x1  }
0x1: {  	s1 =	srdreg.scid  }
0x2: {  	s0 =	stileid.u32;
	s4 =	rddreg [dreg:$0x0]  }
0x3: {  	s9 =	simm.s32 $0x2;
	s10 =	simm.s32 $0x80;
	s11 =	simm.s32 $0x400  }
0x4: {  	s12 =	simm.s32 $0x3;
	s13 =	simm.s32 $0x0;
	s3 =	sand.u32 $0x1, s1  }
0x5: {  	s2 =	sshll.u32 s0, $0x1;
	s1 =	rddreg [dreg:$0x1];
	s7 =	sshrl.u32 s0, $0x2  }
0x6: {  	s5 =	sor.u32 s3, s2;
	s2 =	simm.s32 $0x0;
	s7 =	smul.u32 $0x14000, s7  }
0x7: {  	s31 =	ssub.s32 $0x2, s3;
	s6 =	smul.u32 $0x500, s5;
	s5 =	sshll.u32 s5, $0x7  }
0x8: {  	s3 =	sadd.s32 $0xC400, s4;
	[smem:$0x7FF] =	sst s2;
	s5 =	sand.u32 $0x380, s5  }
0x9: {  	s8 =	sshrl.u32 s31, $0x1;
	_ =	strace $0x80000047;
	s5 =	sor.u32 s7, s5  }
0xa: {  	s6 =	sadd.s32 s6, s4;
	s7 =	ssub.s32 s31, s8;
	s5 =	sshrl.u32 s5, $0x3  }
0xb: {  	s8 =	simm.s32 $0x1;
	s5 =	sadd.s32 s5, s4;
	s4 =	sadd.s32 $0x2400, s6  }
0xc: {  	v0 =	vimm.f32 $1.000000000e+00;
	s6 =	smax.u32 s7, $0x1;
	s7 =	simm.s32 $0x2800;
	s5 =	sadd.s32 $0xCA00, s5  }
.LBB2_1:
0xd: {  	[tilespmem:s2], [sflag:$0x1] =	stream.linear.gather [hbm4b:s4+s2], $0x2780, $0x38;
	[tilespmem:$0x5000] =	vst v63  }
0xe: {  	_ = 	snop  }
0xf: {  	[tilespmem:s7], [sflag:$0x2] =	stream.linear.gather [hbm4b:s3+s2], $0x2800, $0x38;
	[tilespmem:$0x5000] =	vst v63  }
0x10: {  	_ =	swait.ge [sflag:s8], $0x2780  }
0x11: {  	[sflag:s8] =	ssyncset.done $0x0  }
0x12: {  	[sflag:s8] =	ssyncadd.s32 $0xFFFFD880  }
0x13: {  	_ =	swait.ge [sflag:s9], $0x2800  }
0x14: {  	[sflag:s9] =	ssyncset.done $0x0  }
0x15: {  	s14 =	simm.s32 $0x0;
	[sflag:s9] =	ssyncadd.s32 $0xFFFFD800  }
.LBB2_2:
0x16: {  	s15 =	sshra.s32 s14, $0x2  }
0x17: {  	v1 =	vld [tilespmem:s15+$0x0];
	_ =	sdelay $0x7  }
0x18: {  	[tilespmem:v1+s7+$0x0] =	vst.idx.add.f32.msk $0xffff, v0  }
0x19: {  	v1 =	vld [tilespmem:s15+$0x10];
	_ =	sdelay $0x7  }
0x1a: {  	[tilespmem:v1+s7+$0x0] =	vst.idx.add.f32.msk $0xffff, v0  }
0x1b: {  	v1 =	vld [tilespmem:s15+$0x20];
	_ =	sdelay $0x7  }
0x1c: {  	[tilespmem:v1+s7+$0x0] =	vst.idx.add.f32.msk $0xffff, v0  }
0x1d: {  	v1 =	vld [tilespmem:s15+$0x30];
	_ =	sdelay $0x7  }
0x1e: {  	[tilespmem:v1+s7+$0x0] =	vst.idx.add.f32.msk $0xffff, v0  }
0x1f: {  	v1 =	vld [tilespmem:s15+$0x40];
	_ =	sdelay $0x7  }
0x20: {  	[tilespmem:v1+s7+$0x0] =	vst.idx.add.f32.msk $0xffff, v0  }
0x21: {  	v1 =	vld [tilespmem:s15+$0x50];
	_ =	sdelay $0x7  }
0x22: {  	[tilespmem:v1+s7+$0x0] =	vst.idx.add.f32.msk $0xffff, v0  }
0x23: {  	v1 =	vld [tilespmem:s15+$0x60];
	_ =	sdelay $0x7  }
0x24: {  	[tilespmem:v1+s7+$0x0] =	vst.idx.add.f32.msk $0xffff, v0  }
0x25: {  	v1 =	vld [tilespmem:s15+$0x70];
	_ =	sdelay $0x2  }
0x26: {  	p0 =	sne.s32 s14, $0x9C00  }
.Ltmp0:
0x27: {  	_ = 	snop;
	(pc) =	sbr.rel @p0 .LBB2_2-.Ltmp0, $2  }
0x28: {  	_ =	sdelay $0x2  }
0x29: {  	s14 =	sadd.s32 $0x200, s14;
	[tilespmem:v1+s7+$0x0] =	vst.idx.add.f32.msk $0xffff, v0  }
0x2a: {  	s13 =	sadd.s32 $0x1, s13  }
0x2b: {  	p0 =	sne.s32 s13, s6  }
.Ltmp1:
0x2c: {  	_ = 	snop;
	(pc) =	sbr.rel @p0 .LBB2_1-.Ltmp1, $4  }
0x2d: {  	[hbm4b:s5+s10] =	stream.strided.scatter [tilespmem:s7], [sflag:$0x3], $0x2800, s11, s10, $0x38;
	[tilespmem:$0x5000] =	vst v63  }
0x2e: {  	_ =	swait.ge [sflag:s12], $0x2800  }
0x2f: {  	[sflag:s12] =	ssyncset.done $0x0  }
0x30: {  	[sflag:s12] =	ssyncadd.s32 $0xFFFFD800  }
0x31: {  	_ =	sfence.sel $0x180000  }
0x32: {  	[bflag:$0x0] =	sbarrier.arrive $0xFFFF  }
0x33: {  	p0 =	sne.s32 s0, $0x0;
	_ =	strace $0x90000047  }
0x34: {  	s0 =	sadd.s32 @!p0 $0x100000, s1;
	[bflag:$0x2] =	sbarrier.arrive $0xFFFF  }
0x35: {  	[sflag:s0] =	ssyncadd.tile.s32 @!p0 $0x1;
	_ =	shalt  }
.Lfunc_end2:
_tile_overlayer_lowered:
.L_overlay_start_2:
0x36: {  	(tag) =	ssettag $0x2  }
0x37: {  	s0 =	rddreg [dreg:$0x0];
	s2 =	stileid.u32  }
0x38: {  	s1 =	rddreg [dreg:$0x1];
	p0 =	sne.s32 s2, $0x0  }
0x39: {  	s3 =	rddreg [dreg:$0x2];
	[bflag:$0x3] =	sbarrier.arrive $0xFFFF;
	s2 =	simm.s32 @!p0 $0x1C03  }
0x3a: {  	[timem:s3], [sflag:s2] =	dma.local @!p0 [hbm:s0], s1  }
0x3b: {  	s0 =	simm.s32 @!p0 $0x3  }
0x3c: {  	_ =	swait.ge @!p0 [sflag:s0], s1  }
0x3d: {  	s1 =	ssub.s32 @!p0 $0x0, s1;
	[sflag:s0] =	ssyncset.done @!p0 $0x0  }
0x3e: {  	[sflag:s0] =	ssyncadd.s32 @!p0 s1  }
0x3f: {  	[bflag:$0x3] =	sbarrier.arrive $0xFFFF  }
0x40: {  	_ =	shalt  }

</sc_bundles>
